<compile_context>
chip_gen: v7x
topology: tpu7x:2x2x1
jax: 0.10.2.dev20260603
libtpu: 0.0.44.dev20260713+nightly
codegen_flags: <defaults>
</compile_context>

<pallas_src>
import functools
import jax
import jax.numpy as jnp
from jax import lax
from jax.experimental import pallas as pl
from jax.experimental.pallas import tpu as pltpu
from jax.experimental.pallas import tpu_sc as plsc

_CHUNK = 16 * 1024


def _sc_body(x_hbm, pos_hbm, out_hbm, xv0, xv1, pv0, pv1,
             sx0, sx1, sp0, sp1, so0, so1, nc, nw, s_elems):
    wid = lax.axis_index("s") * nc + lax.axis_index("c")
    total = x_hbm.shape[0]
    per_w = total // nw
    base = wid * per_w
    pos_base = lax.rem(base, s_elems)
    n_chunks = per_w // _CHUNK

    xv = (xv0, xv1)
    pv = (pv0, pv1)
    sx = (sx0, sx1)
    sp = (sp0, sp1)
    so = (so0, so1)

    def start_in(c):
        b = c % 2
        dx = pltpu.async_copy(
            x_hbm.at[pl.ds(base + c * _CHUNK, _CHUNK)], xv[b], sx[b])
        dp = pltpu.async_copy(
            pos_hbm.at[pl.ds(pos_base + c * _CHUNK, _CHUNK)], pv[b], sp[b])
        return dx, dp

    descs_in = [None] * n_chunks
    descs_out = [None] * n_chunks
    descs_in[0] = start_in(0)

    for c in range(n_chunks):
        b = c % 2
        dx, dp = descs_in[c]
        dx.wait()
        dp.wait()
        if c >= 1:
            descs_out[c - 1].wait()
        if c + 1 < n_chunks:
            descs_in[c + 1] = start_in(c + 1)

        xb, pb = xv[b], pv[b]

        @plsc.parallel_loop(0, _CHUNK // 16, 1, unroll=16)
        def _vec(k):
            col = pl.multiple_of(lax.shift_left(k, 4), 16)
            plsc.addupdate(xb.at[pl.ds(col, 16)], pb[pl.ds(col, 16)])

        descs_out[c] = pltpu.async_copy(
            xb, out_hbm.at[pl.ds(base + c * _CHUNK, _CHUNK)], so[b])

    descs_out[n_chunks - 1].wait()


def kernel(x, pos_table):
    B, S, D = x.shape
    pos = pos_table[:S].reshape(S * D)
    x1 = x.reshape(B * S * D)
    info = plsc.get_sparse_core_info()
    nc, ns = info.num_cores, info.num_subcores
    nw = nc * ns
    mesh = plsc.VectorSubcoreMesh(core_axis_name="c", subcore_axis_name="s")
    body = functools.partial(_sc_body, nc=nc, nw=nw, s_elems=S * D)
    run = pl.kernel(
        body,
        out_type=jax.ShapeDtypeStruct((B * S * D,), x.dtype),
        mesh=mesh,
        scratch_types=[
            pltpu.VMEM((_CHUNK,), jnp.float32),
            pltpu.VMEM((_CHUNK,), jnp.float32),
            pltpu.VMEM((_CHUNK,), jnp.float32),
            pltpu.VMEM((_CHUNK,), jnp.float32),
            pltpu.SemaphoreType.DMA,
            pltpu.SemaphoreType.DMA,
            pltpu.SemaphoreType.DMA,
            pltpu.SemaphoreType.DMA,
            pltpu.SemaphoreType.DMA,
            pltpu.SemaphoreType.DMA,
        ],
    )
    return run(x1, pos).reshape(B, S, D)

# --- scband reference (transcript-rebuilt; emitter-appended) ---
"""Pipeline reference for scband-learnable-positional-embedding-10788957847622 (READ-ONLY COPY).

The authoritative reference and input builder live on the scoring server;
editing this copy changes nothing except your own understanding.
"""

import jax, jax.numpy as jnp
import numpy as np

DIM_MODEL = 1024
MAX_LEN = 2048
BATCH = 4
SEQ_LEN = 2048

def setup_inputs(seed: int = 0) -> dict:
    key = jax.random.key(seed)
    k1, k2 = jax.random.split(key)
    x = jax.random.normal(k1, (BATCH, SEQ_LEN, DIM_MODEL), dtype=jnp.float32)
    pos_table = jax.random.normal(k2, (MAX_LEN, DIM_MODEL), dtype=jnp.float32)
    return {"x": x, "pos_table": pos_table}

def reference(x, pos_table):
    # x.ndim == 3, so no unsqueeze needed (torch unsqueezes only for 2D input)
    positions = jnp.arange(x.shape[1])
    positions = jnp.broadcast_to(positions[None, :], (x.shape[0], x.shape[1]))
    positional_encodings = jnp.take(pos_table, positions, axis=0)
    return x + positional_encodings

if __name__ == "__main__":
    import jax
    _d = setup_inputs()
    print(jax.jit(kernel)(*tuple(_d.values())))

</pallas_src>

<mosaic_0001>
#map = affine_map<(d0, d1) -> (0)>
module attributes {stable_mosaic.version = 14 : i64} {
  func.func @_sc_body(%arg0: i32, %arg1: i32, %arg2: memref<8388608xf32, #tpu.memory_space<hbm>>, %arg3: memref<2097152xf32, #tpu.memory_space<hbm>>, %arg4: memref<8388608xf32, #tpu.memory_space<hbm>>, %arg5: memref<16384xf32, #tpu.memory_space<vmem>>, %arg6: memref<16384xf32, #tpu.memory_space<vmem>>, %arg7: memref<16384xf32, #tpu.memory_space<vmem>>, %arg8: memref<16384xf32, #tpu.memory_space<vmem>>, %arg9: memref<!tpu.dma_semaphore, #tpu.memory_space<semaphore_mem>>, %arg10: memref<!tpu.dma_semaphore, #tpu.memory_space<semaphore_mem>>, %arg11: memref<!tpu.dma_semaphore, #tpu.memory_space<semaphore_mem>>, %arg12: memref<!tpu.dma_semaphore, #tpu.memory_space<semaphore_mem>>, %arg13: memref<!tpu.dma_semaphore, #tpu.memory_space<semaphore_mem>>, %arg14: memref<!tpu.dma_semaphore, #tpu.memory_space<semaphore_mem>>) attributes {dimension_semantics = [#tpu.dimension_semantics<core_parallel>, #tpu.dimension_semantics<subcore_parallel>], iteration_bounds = array<i64: 2, 16>, scalar_prefetch = 0 : i64, scratch_operands = 10 : i64, tpu.core_type = #tpu.core_type<sc_vector_subcore>, window_params = [{transform_indices = #map}, {transform_indices = #map}, {transform_indices = #map}]} {
    %mul3A = arith.constant 2 : i32
    %mul3A_0 = arith.muli %arg1, %mul3A : i32
    %add3A = arith.addi %mul3A_0, %arg0 : i32
    %mul3A_1 = arith.constant 262144 : i32
    %mul3A_2 = arith.muli %add3A, %mul3A_1 : i32
    %rem3A = arith.constant 2097152 : i32
    %rem3A_3 = arith.remsi %mul3A_2, %rem3A : i32
    %add3A_4 = arith.constant 0 : i32
    %add3A_5 = arith.addi %mul3A_2, %add3A_4 : i32
    %dma_start3A = tpu.memref_slice %arg2[%add3A_5] : memref<8388608xf32, #tpu.memory_space<hbm>> -> memref<16384xf32, #tpu.memory_space<hbm>>
    %dma_start3A_6 = tpu.memref_slice %arg2[%add3A_5] : memref<8388608xf32, #tpu.memory_space<hbm>> -> memref<16384xf32, #tpu.memory_space<hbm>>
    tpu.enqueue_dma source(%dma_start3A_6 : memref<16384xf32, #tpu.memory_space<hbm>>) target(%arg5 : memref<16384xf32, #tpu.memory_space<vmem>>) target_semaphore(%arg9 : memref<!tpu.dma_semaphore, #tpu.memory_space<semaphore_mem>>)
    %add3A_7 = arith.constant 0 : i32
    %add3A_8 = arith.addi %rem3A_3, %add3A_7 : i32
    %dma_start3A_9 = tpu.memref_slice %arg3[%add3A_8] : memref<2097152xf32, #tpu.memory_space<hbm>> -> memref<16384xf32, #tpu.memory_space<hbm>>
    %dma_start3A_10 = tpu.memref_slice %arg3[%add3A_8] : memref<2097152xf32, #tpu.memory_space<hbm>> -> memref<16384xf32, #tpu.memory_space<hbm>>
    tpu.enqueue_dma source(%dma_start3A_10 : memref<16384xf32, #tpu.memory_space<hbm>>) target(%arg7 : memref<16384xf32, #tpu.memory_space<vmem>>) target_semaphore(%arg11 : memref<!tpu.dma_semaphore, #tpu.memory_space<semaphore_mem>>)
    %dma_wait3A = tpu.memref_slice %arg2[%add3A_5] : memref<8388608xf32, #tpu.memory_space<hbm>> -> memref<16384xf32, #tpu.memory_space<hbm>>
    %dma_wait3A_11 = tpu.memref_slice %arg2[%add3A_5] : memref<8388608xf32, #tpu.memory_space<hbm>> -> memref<16384xf32, #tpu.memory_space<hbm>>
    tpu.wait_dma2 semaphore(%arg9 : memref<!tpu.dma_semaphore, #tpu.memory_space<semaphore_mem>>) src(%dma_wait3A_11 : memref<16384xf32, #tpu.memory_space<hbm>>) dst(%arg5 : memref<16384xf32, #tpu.memory_space<vmem>>)
    %dma_wait3A_12 = tpu.memref_slice %arg3[%add3A_8] : memref<2097152xf32, #tpu.memory_space<hbm>> -> memref<16384xf32, #tpu.memory_space<hbm>>
    %dma_wait3A_13 = tpu.memref_slice %arg3[%add3A_8] : memref<2097152xf32, #tpu.memory_space<hbm>> -> memref<16384xf32, #tpu.memory_space<hbm>>
    tpu.wait_dma2 semaphore(%arg11 : memref<!tpu.dma_semaphore, #tpu.memory_space<semaphore_mem>>) src(%dma_wait3A_13 : memref<16384xf32, #tpu.memory_space<hbm>>) dst(%arg7 : memref<16384xf32, #tpu.memory_space<vmem>>)
    %add3A_14 = arith.constant 16384 : i32
    %add3A_15 = arith.addi %mul3A_2, %add3A_14 : i32
    %dma_start3A_16 = tpu.memref_slice %arg2[%add3A_15] : memref<8388608xf32, #tpu.memory_space<hbm>> -> memref<16384xf32, #tpu.memory_space<hbm>>
    %dma_start3A_17 = tpu.memref_slice %arg2[%add3A_15] : memref<8388608xf32, #tpu.memory_space<hbm>> -> memref<16384xf32, #tpu.memory_space<hbm>>
    tpu.enqueue_dma source(%dma_start3A_17 : memref<16384xf32, #tpu.memory_space<hbm>>) target(%arg6 : memref<16384xf32, #tpu.memory_space<vmem>>) target_semaphore(%arg10 : memref<!tpu.dma_semaphore, #tpu.memory_space<semaphore_mem>>)
    %add3A_18 = arith.constant 16384 : i32
    %add3A_19 = arith.addi %rem3A_3, %add3A_18 : i32
    %dma_start3A_20 = tpu.memref_slice %arg3[%add3A_19] : memref<2097152xf32, #tpu.memory_space<hbm>> -> memref<16384xf32, #tpu.memory_space<hbm>>
    %dma_start3A_21 = tpu.memref_slice %arg3[%add3A_19] : memref<2097152xf32, #tpu.memory_space<hbm>> -> memref<16384xf32, #tpu.memory_space<hbm>>
    tpu.enqueue_dma source(%dma_start3A_21 : memref<16384xf32, #tpu.memory_space<hbm>>) target(%arg8 : memref<16384xf32, #tpu.memory_space<vmem>>) target_semaphore(%arg12 : memref<!tpu.dma_semaphore, #tpu.memory_space<semaphore_mem>>)
    %parallel_loop3A = arith.constant 0 : i32
    %parallel_loop3A_22 = arith.constant 1024 : i32
    %parallel_loop3A_23 = arith.constant 1 : i32
    scf.for %parallel_loop3A_337 = %parallel_loop3A to %parallel_loop3A_22 step %parallel_loop3A_23  : i32 {
      %parallel_loop3A_338 = arith.constant 4 : i32
      %parallel_loop3A_339 = arith.shli %parallel_loop3A_337, %parallel_loop3A_338 : i32
      %parallel_loop3A_340 = tpu.assume_multiple %parallel_loop3A_339, 16 : i32
      %parallel_loop3A_341 = arith.index_cast %parallel_loop3A_340 : i32 to index
      %parallel_loop3A_342 = tpu.vector_load %arg7[%parallel_loop3A_341] {strides = array<i32>} : memref<16384xf32, #tpu.memory_space<vmem>>, vector<16xf32>,
      %parallel_loop3A_343 = vector.shape_cast %parallel_loop3A_342 : vector<16xf32> to vector<16xf32>
      %parallel_loop3A_344 = arith.index_cast %parallel_loop3A_340 : i32 to index
      %parallel_loop3A_345 = tpu.vector_load %arg5[%parallel_loop3A_344] {strides = array<i32>} : memref<16384xf32, #tpu.memory_space<vmem>>, vector<16xf32>,
      %parallel_loop3A_346 = vector.shape_cast %parallel_loop3A_345 : vector<16xf32> to vector<16xf32>
      %parallel_loop3A_347 = vector.shape_cast %parallel_loop3A_343 : vector<16xf32> to vector<16xf32>
      tpu.vector_store %arg5[%parallel_loop3A_344], %parallel_loop3A_347 {add = true, strides = array<i32>} : memref<16384xf32, #tpu.memory_space<vmem>>, vector<16xf32>,
    } {sc.loop_unroll_factor = 16 : i64, sc.parallel_access}
    %add3A_24 = arith.constant 0 : i32
    %add3A_25 = arith.addi %mul3A_2, %add3A_24 : i32
    %dma_start3A_26 = tpu.memref_slice %arg4[%add3A_25] : memref<8388608xf32, #tpu.memory_space<hbm>> -> memref<16384xf32, #tpu.memory_space<hbm>>
    %dma_start3A_27 = tpu.memref_slice %arg4[%add3A_25] : memref<8388608xf32, #tpu.memory_space<hbm>> -> memref<16384xf32, #tpu.memory_space<hbm>>
    tpu.enqueue_dma source(%arg5 : memref<16384xf32, #tpu.memory_space<vmem>>) target(%dma_start3A_27 : memref<16384xf32, #tpu.memory_space<hbm>>) target_semaphore(%arg13 : memref<!tpu.dma_semaphore, #tpu.memory_space<semaphore_mem>>)
    %dma_wait3A_28 = tpu.memref_slice %arg2[%add3A_15] : memref<8388608xf32, #tpu.memory_space<hbm>> -> memref<16384xf32, #tpu.memory_space<hbm>>
    %dma_wait3A_29 = tpu.memref_slice %arg2[%add3A_15] : memref<8388608xf32, #tpu.memory_space<hbm>> -> memref<16384xf32, #tpu.memory_space<hbm>>
    tpu.wait_dma2 semaphore(%arg10 : memref<!tpu.dma_semaphore, #tpu.memory_space<semaphore_mem>>) src(%dma_wait3A_29 : memref<16384xf32, #tpu.memory_space<hbm>>) dst(%arg6 : memref<16384xf32, #tpu.memory_space<vmem>>)
    %dma_wait3A_30 = tpu.memref_slice %arg3[%add3A_19] : memref<2097152xf32, #tpu.memory_space<hbm>> -> memref<16384xf32, #tpu.memory_space<hbm>>
    %dma_wait3A_31 = tpu.memref_slice %arg3[%add3A_19] : memref<2097152xf32, #tpu.memory_space<hbm>> -> memref<16384xf32, #tpu.memory_space<hbm>>
    tpu.wait_dma2 semaphore(%arg12 : memref<!tpu.dma_semaphore, #tpu.memory_space<semaphore_mem>>) src(%dma_wait3A_31 : memref<16384xf32, #tpu.memory_space<hbm>>) dst(%arg8 : memref<16384xf32, #tpu.memory_space<vmem>>)
    %dma_wait3A_32 = tpu.memref_slice %arg4[%add3A_25] : memref<8388608xf32, #tpu.memory_space<hbm>> -> memref<16384xf32, #tpu.memory_space<hbm>>
    %dma_wait3A_33 = tpu.memref_slice %arg4[%add3A_25] : memref<8388608xf32, #tpu.memory_space<hbm>> -> memref<16384xf32, #tpu.memory_space<hbm>>
    tpu.wait_dma2 semaphore(%arg13 : memref<!tpu.dma_semaphore, #tpu.memory_space<semaphore_mem>>) src(%arg5 : memref<16384xf32, #tpu.memory_space<vmem>>) dst(%dma_wait3A_33 : memref<16384xf32, #tpu.memory_space<hbm>>)
    %add3A_34 = arith.constant 32768 : i32
    %add3A_35 = arith.addi %mul3A_2, %add3A_34 : i32
    %dma_start3A_36 = tpu.memref_slice %arg2[%add3A_35] : memref<8388608xf32, #tpu.memory_space<hbm>> -> memref<16384xf32, #tpu.memory_space<hbm>>
    %dma_start3A_37 = tpu.memref_slice %arg2[%add3A_35] : memref<8388608xf32, #tpu.memory_space<hbm>> -> memref<16384xf32, #tpu.memory_space<hbm>>
    tpu.enqueue_dma source(%dma_start3A_37 : memref<16384xf32, #tpu.memory_space<hbm>>) target(%arg5 : memref<16384xf32, #tpu.memory_space<vmem>>) target_semaphore(%arg9 : memref<!tpu.dma_semaphore, #tpu.memory_space<semaphore_mem>>)
    %add3A_38 = arith.constant 32768 : i32
    %add3A_39 = arith.addi %rem3A_3, %add3A_38 : i32
    %dma_start3A_40 = tpu.memref_slice %arg3[%add3A_39] : memref<2097152xf32, #tpu.memory_space<hbm>> -> memref<16384xf32, #tpu.memory_space<hbm>>
    %dma_start3A_41 = tpu.memref_slice %arg3[%add3A_39] : memref<2097152xf32, #tpu.memory_space<hbm>> -> memref<16384xf32, #tpu.memory_space<hbm>>
    tpu.enqueue_dma source(%dma_start3A_41 : memref<16384xf32, #tpu.memory_space<hbm>>) target(%arg7 : memref<16384xf32, #tpu.memory_space<vmem>>) target_semaphore(%arg11 : memref<!tpu.dma_semaphore, #tpu.memory_space<semaphore_mem>>)
    %parallel_loop3A_42 = arith.constant 0 : i32
    %parallel_loop3A_43 = arith.constant 1024 : i32
    %parallel_loop3A_44 = arith.constant 1 : i32
    scf.for %parallel_loop3A_337 = %parallel_loop3A_42 to %parallel_loop3A_43 step %parallel_loop3A_44  : i32 {
      %parallel_loop3A_338 = arith.constant 4 : i32
      %parallel_loop3A_339 = arith.shli %parallel_loop3A_337, %parallel_loop3A_338 : i32
      %parallel_loop3A_340 = tpu.assume_multiple %parallel_loop3A_339, 16 : i32
      %parallel_loop3A_341 = arith.index_cast %parallel_loop3A_340 : i32 to index
      %parallel_loop3A_342 = tpu.vector_load %arg8[%parallel_loop3A_341] {strides = array<i32>} : memref<16384xf32, #tpu.memory_space<vmem>>, vector<16xf32>,
      %parallel_loop3A_343 = vector.shape_cast %parallel_loop3A_342 : vector<16xf32> to vector<16xf32>
      %parallel_loop3A_344 = arith.index_cast %parallel_loop3A_340 : i32 to index
      %parallel_loop3A_345 = tpu.vector_load %arg6[%parallel_loop3A_344] {strides = array<i32>} : memref<16384xf32, #tpu.memory_space<vmem>>, vector<16xf32>,
      %parallel_loop3A_346 = vector.shape_cast %parallel_loop3A_345 : vector<16xf32> to vector<16xf32>
      %parallel_loop3A_347 = vector.shape_cast %parallel_loop3A_343 : vector<16xf32> to vector<16xf32>
      tpu.vector_store %arg6[%parallel_loop3A_344], %parallel_loop3A_347 {add = true, strides = array<i32>} : memref<16384xf32, #tpu.memory_space<vmem>>, vector<16xf32>,
    } {sc.loop_unroll_factor = 16 : i64, sc.parallel_access}
    %add3A_45 = arith.constant 16384 : i32
    %add3A_46 = arith.addi %mul3A_2, %add3A_45 : i32
    %dma_start3A_47 = tpu.memref_slice %arg4[%add3A_46] : memref<8388608xf32, #tpu.memory_space<hbm>> -> memref<16384xf32, #tpu.memory_space<hbm>>
    %dma_start3A_48 = tpu.memref_slice %arg4[%add3A_46] : memref<8388608xf32, #tpu.memory_space<hbm>> -> memref<16384xf32, #tpu.memory_space<hbm>>
    tpu.enqueue_dma source(%arg6 : memref<16384xf32, #tpu.memory_space<vmem>>) target(%dma_start3A_48 : memref<16384xf32, #tpu.memory_space<hbm>>) target_semaphore(%arg14 : memref<!tpu.dma_semaphore, #tpu.memory_space<semaphore_mem>>)
    %dma_wait3A_49 = tpu.memref_slice %arg2[%add3A_35] : memref<8388608xf32, #tpu.memory_space<hbm>> -> memref<16384xf32, #tpu.memory_space<hbm>>
    %dma_wait3A_50 = tpu.memref_slice %arg2[%add3A_35] : memref<8388608xf32, #tpu.memory_space<hbm>> -> memref<16384xf32, #tpu.memory_space<hbm>>
    tpu.wait_dma2 semaphore(%arg9 : memref<!tpu.dma_semaphore, #tpu.memory_space<semaphore_mem>>) src(%dma_wait3A_50 : memref<16384xf32, #tpu.memory_space<hbm>>) dst(%arg5 : memref<16384xf32, #tpu.memory_space<vmem>>)
    %dma_wait3A_51 = tpu.memref_slice %arg3[%add3A_39] : memref<2097152xf32, #tpu.memory_space<hbm>> -> memref<16384xf32, #tpu.memory_space<hbm>>
    %dma_wait3A_52 = tpu.memref_slice %arg3[%add3A_39] : memref<2097152xf32, #tpu.memory_space<hbm>> -> memref<16384xf32, #tpu.memory_space<hbm>>
    tpu.wait_dma2 semaphore(%arg11 : memref<!tpu.dma_semaphore, #tpu.memory_space<semaphore_mem>>) src(%dma_wait3A_52 : memref<16384xf32, #tpu.memory_space<hbm>>) dst(%arg7 : memref<16384xf32, #tpu.memory_space<vmem>>)
    %dma_wait3A_53 = tpu.memref_slice %arg4[%add3A_46] : memref<8388608xf32, #tpu.memory_space<hbm>> -> memref<16384xf32, #tpu.memory_space<hbm>>
    %dma_wait3A_54 = tpu.memref_slice %arg4[%add3A_46] : memref<8388608xf32, #tpu.memory_space<hbm>> -> memref<16384xf32, #tpu.memory_space<hbm>>
    tpu.wait_dma2 semaphore(%arg14 : memref<!tpu.dma_semaphore, #tpu.memory_space<semaphore_mem>>) src(%arg6 : memref<16384xf32, #tpu.memory_space<vmem>>) dst(%dma_wait3A_54 : memref<16384xf32, #tpu.memory_space<hbm>>)
    %add3A_55 = arith.constant 49152 : i32
    %add3A_56 = arith.addi %mul3A_2, %add3A_55 : i32
    %dma_start3A_57 = tpu.memref_slice %arg2[%add3A_56] : memref<8388608xf32, #tpu.memory_space<hbm>> -> memref<16384xf32, #tpu.memory_space<hbm>>
    %dma_start3A_58 = tpu.memref_slice %arg2[%add3A_56] : memref<8388608xf32, #tpu.memory_space<hbm>> -> memref<16384xf32, #tpu.memory_space<hbm>>
    tpu.enqueue_dma source(%dma_start3A_58 : memref<16384xf32, #tpu.memory_space<hbm>>) target(%arg6 : memref<16384xf32, #tpu.memory_space<vmem>>) target_semaphore(%arg10 : memref<!tpu.dma_semaphore, #tpu.memory_space<semaphore_mem>>)
    %add3A_59 = arith.constant 49152 : i32
    %add3A_60 = arith.addi %rem3A_3, %add3A_59 : i32
    %dma_start3A_61 = tpu.memref_slice %arg3[%add3A_60] : memref<2097152xf32, #tpu.memory_space<hbm>> -> memref<16384xf32, #tpu.memory_space<hbm>>
    %dma_start3A_62 = tpu.memref_slice %arg3[%add3A_60] : memref<2097152xf32, #tpu.memory_space<hbm>> -> memref<16384xf32, #tpu.memory_space<hbm>>
    tpu.enqueue_dma source(%dma_start3A_62 : memref<16384xf32, #tpu.memory_space<hbm>>) target(%arg8 : memref<16384xf32, #tpu.memory_space<vmem>>) target_semaphore(%arg12 : memref<!tpu.dma_semaphore, #tpu.memory_space<semaphore_mem>>)
    %parallel_loop3A_63 = arith.constant 0 : i32
    %parallel_loop3A_64 = arith.constant 1024 : i32
    %parallel_loop3A_65 = arith.constant 1 : i32
    scf.for %parallel_loop3A_337 = %parallel_loop3A_63 to %parallel_loop3A_64 step %parallel_loop3A_65  : i32 {
      %parallel_loop3A_338 = arith.constant 4 : i32
      %parallel_loop3A_339 = arith.shli %parallel_loop3A_337, %parallel_loop3A_338 : i32
      %parallel_loop3A_340 = tpu.assume_multiple %parallel_loop3A_339, 16 : i32
      %parallel_loop3A_341 = arith.index_cast %parallel_loop3A_340 : i32 to index
      %parallel_loop3A_342 = tpu.vector_load %arg7[%parallel_loop3A_341] {strides = array<i32>} : memref<16384xf32, #tpu.memory_space<vmem>>, vector<16xf32>,
      %parallel_loop3A_343 = vector.shape_cast %parallel_loop3A_342 : vector<16xf32> to vector<16xf32>
      %parallel_loop3A_344 = arith.index_cast %parallel_loop3A_340 : i32 to index
      %parallel_loop3A_345 = tpu.vector_load %arg5[%parallel_loop3A_344] {strides = array<i32>} : memref<16384xf32, #tpu.memory_space<vmem>>, vector<16xf32>,
      %parallel_loop3A_346 = vector.shape_cast %parallel_loop3A_345 : vector<16xf32> to vector<16xf32>
      %parallel_loop3A_347 = vector.shape_cast %parallel_loop3A_343 : vector<16xf32> to vector<16xf32>
      tpu.vector_store %arg5[%parallel_loop3A_344], %parallel_loop3A_347 {add = true, strides = array<i32>} : memref<16384xf32, #tpu.memory_space<vmem>>, vector<16xf32>,
    } {sc.loop_unroll_factor = 16 : i64, sc.parallel_access}
    %add3A_66 = arith.constant 32768 : i32
    %add3A_67 = arith.addi %mul3A_2, %add3A_66 : i32
    %dma_start3A_68 = tpu.memref_slice %arg4[%add3A_67] : memref<8388608xf32, #tpu.memory_space<hbm>> -> memref<16384xf32, #tpu.memory_space<hbm>>
    %dma_start3A_69 = tpu.memref_slice %arg4[%add3A_67] : memref<8388608xf32, #tpu.memory_space<hbm>> -> memref<16384xf32, #tpu.memory_space<hbm>>
    tpu.enqueue_dma source(%arg5 : memref<16384xf32, #tpu.memory_space<vmem>>) target(%dma_start3A_69 : memref<16384xf32, #tpu.memory_space<hbm>>) target_semaphore(%arg13 : memref<!tpu.dma_semaphore, #tpu.memory_space<semaphore_mem>>)
    %dma_wait3A_70 = tpu.memref_slice %arg2[%add3A_56] : memref<8388608xf32, #tpu.memory_space<hbm>> -> memref<16384xf32, #tpu.memory_space<hbm>>
    %dma_wait3A_71 = tpu.memref_slice %arg2[%add3A_56] : memref<8388608xf32, #tpu.memory_space<hbm>> -> memref<16384xf32, #tpu.memory_space<hbm>>
    tpu.wait_dma2 semaphore(%arg10 : memref<!tpu.dma_semaphore, #tpu.memory_space<semaphore_mem>>) src(%dma_wait3A_71 : memref<16384xf32, #tpu.memory_space<hbm>>) dst(%arg6 : memref<16384xf32, #tpu.memory_space<vmem>>)
    %dma_wait3A_72 = tpu.memref_slice %arg3[%add3A_60] : memref<2097152xf32, #tpu.memory_space<hbm>> -> memref<16384xf32, #tpu.memory_space<hbm>>
    %dma_wait3A_73 = tpu.memref_slice %arg3[%add3A_60] : memref<2097152xf32, #tpu.memory_space<hbm>> -> memref<16384xf32, #tpu.memory_space<hbm>>
    tpu.wait_dma2 semaphore(%arg12 : memref<!tpu.dma_semaphore, #tpu.memory_space<semaphore_mem>>) src(%dma_wait3A_73 : memref<16384xf32, #tpu.memory_space<hbm>>) dst(%arg8 : memref<16384xf32, #tpu.memory_space<vmem>>)
    %dma_wait3A_74 = tpu.memref_slice %arg4[%add3A_67] : memref<8388608xf32, #tpu.memory_space<hbm>> -> memref<16384xf32, #tpu.memory_space<hbm>>
    %dma_wait3A_75 = tpu.memref_slice %arg4[%add3A_67] : memref<8388608xf32, #tpu.memory_space<hbm>> -> memref<16384xf32, #tpu.memory_space<hbm>>
    tpu.wait_dma2 semaphore(%arg13 : memref<!tpu.dma_semaphore, #tpu.memory_space<semaphore_mem>>) src(%arg5 : memref<16384xf32, #tpu.memory_space<vmem>>) dst(%dma_wait3A_75 : memref<16384xf32, #tpu.memory_space<hbm>>)
    %add3A_76 = arith.constant 65536 : i32
    %add3A_77 = arith.addi %mul3A_2, %add3A_76 : i32
    %dma_start3A_78 = tpu.memref_slice %arg2[%add3A_77] : memref<8388608xf32, #tpu.memory_space<hbm>> -> memref<16384xf32, #tpu.memory_space<hbm>>
    %dma_start3A_79 = tpu.memref_slice %arg2[%add3A_77] : memref<8388608xf32, #tpu.memory_space<hbm>> -> memref<16384xf32, #tpu.memory_space<hbm>>
    tpu.enqueue_dma source(%dma_start3A_79 : memref<16384xf32, #tpu.memory_space<hbm>>) target(%arg5 : memref<16384xf32, #tpu.memory_space<vmem>>) target_semaphore(%arg9 : memref<!tpu.dma_semaphore, #tpu.memory_space<semaphore_mem>>)
    %add3A_80 = arith.constant 65536 : i32
    %add3A_81 = arith.addi %rem3A_3, %add3A_80 : i32
    %dma_start3A_82 = tpu.memref_slice %arg3[%add3A_81] : memref<2097152xf32, #tpu.memory_space<hbm>> -> memref<16384xf32, #tpu.memory_space<hbm>>
    %dma_start3A_83 = tpu.memref_slice %arg3[%add3A_81] : memref<2097152xf32, #tpu.memory_space<hbm>> -> memref<16384xf32, #tpu.memory_space<hbm>>
    tpu.enqueue_dma source(%dma_start3A_83 : memref<16384xf32, #tpu.memory_space<hbm>>) target(%arg7 : memref<16384xf32, #tpu.memory_space<vmem>>) target_semaphore(%arg11 : memref<!tpu.dma_semaphore, #tpu.memory_space<semaphore_mem>>)
    %parallel_loop3A_84 = arith.constant 0 : i32
    %parallel_loop3A_85 = arith.constant 1024 : i32
    %parallel_loop3A_86 = arith.constant 1 : i32
    scf.for %parallel_loop3A_337 = %parallel_loop3A_84 to %parallel_loop3A_85 step %parallel_loop3A_86  : i32 {
      %parallel_loop3A_338 = arith.constant 4 : i32
      %parallel_loop3A_339 = arith.shli %parallel_loop3A_337, %parallel_loop3A_338 : i32
      %parallel_loop3A_340 = tpu.assume_multiple %parallel_loop3A_339, 16 : i32
      %parallel_loop3A_341 = arith.index_cast %parallel_loop3A_340 : i32 to index
      %parallel_loop3A_342 = tpu.vector_load %arg8[%parallel_loop3A_341] {strides = array<i32>} : memref<16384xf32, #tpu.memory_space<vmem>>, vector<16xf32>,
      %parallel_loop3A_343 = vector.shape_cast %parallel_loop3A_342 : vector<16xf32> to vector<16xf32>
      %parallel_loop3A_344 = arith.index_cast %parallel_loop3A_340 : i32 to index
      %parallel_loop3A_345 = tpu.vector_load %arg6[%parallel_loop3A_344] {strides = array<i32>} : memref<16384xf32, #tpu.memory_space<vmem>>, vector<16xf32>,
      %parallel_loop3A_346 = vector.shape_cast %parallel_loop3A_345 : vector<16xf32> to vector<16xf32>
      %parallel_loop3A_347 = vector.shape_cast %parallel_loop3A_343 : vector<16xf32> to vector<16xf32>
      tpu.vector_store %arg6[%parallel_loop3A_344], %parallel_loop3A_347 {add = true, strides = array<i32>} : memref<16384xf32, #tpu.memory_space<vmem>>, vector<16xf32>,
    } {sc.loop_unroll_factor = 16 : i64, sc.parallel_access}
    %add3A_87 = arith.constant 49152 : i32
    %add3A_88 = arith.addi %mul3A_2, %add3A_87 : i32
    %dma_start3A_89 = tpu.memref_slice %arg4[%add3A_88] : memref<8388608xf32, #tpu.memory_space<hbm>> -> memref<16384xf32, #tpu.memory_space<hbm>>
    %dma_start3A_90 = tpu.memref_slice %arg4[%add3A_88] : memref<8388608xf32, #tpu.memory_space<hbm>> -> memref<16384xf32, #tpu.memory_space<hbm>>
    tpu.enqueue_dma source(%arg6 : memref<16384xf32, #tpu.memory_space<vmem>>) target(%dma_start3A_90 : memref<16384xf32, #tpu.memory_space<hbm>>) target_semaphore(%arg14 : memref<!tpu.dma_semaphore, #tpu.memory_space<semaphore_mem>>)
    %dma_wait3A_91 = tpu.memref_slice %arg2[%add3A_77] : memref<8388608xf32, #tpu.memory_space<hbm>> -> memref<16384xf32, #tpu.memory_space<hbm>>
    %dma_wait3A_92 = tpu.memref_slice %arg2[%add3A_77] : memref<8388608xf32, #tpu.memory_space<hbm>> -> memref<16384xf32, #tpu.memory_space<hbm>>
    tpu.wait_dma2 semaphore(%arg9 : memref<!tpu.dma_semaphore, #tpu.memory_space<semaphore_mem>>) src(%dma_wait3A_92 : memref<16384xf32, #tpu.memory_space<hbm>>) dst(%arg5 : memref<16384xf32, #tpu.memory_space<vmem>>)
    %dma_wait3A_93 = tpu.memref_slice %arg3[%add3A_81] : memref<2097152xf32, #tpu.memory_space<hbm>> -> memref<16384xf32, #tpu.memory_space<hbm>>
    %dma_wait3A_94 = tpu.memref_slice %arg3[%add3A_81] : memref<2097152xf32, #tpu.memory_space<hbm>> -> memref<16384xf32, #tpu.memory_space<hbm>>
    tpu.wait_dma2 semaphore(%arg11 : memref<!tpu.dma_semaphore, #tpu.memory_space<semaphore_mem>>) src(%dma_wait3A_94 : memref<16384xf32, #tpu.memory_space<hbm>>) dst(%arg7 : memref<16384xf32, #tpu.memory_space<vmem>>)
    %dma_wait3A_95 = tpu.memref_slice %arg4[%add3A_88] : memref<8388608xf32, #tpu.memory_space<hbm>> -> memref<16384xf32, #tpu.memory_space<hbm>>
    %dma_wait3A_96 = tpu.memref_slice %arg4[%add3A_88] : memref<8388608xf32, #tpu.memory_space<hbm>> -> memref<16384xf32, #tpu.memory_space<hbm>>
    tpu.wait_dma2 semaphore(%arg14 : memref<!tpu.dma_semaphore, #tpu.memory_space<semaphore_mem>>) src(%arg6 : memref<16384xf32, #tpu.memory_space<vmem>>) dst(%dma_wait3A_96 : memref<16384xf32, #tpu.memory_space<hbm>>)
    %add3A_97 = arith.constant 81920 : i32
    %add3A_98 = arith.addi %mul3A_2, %add3A_97 : i32
    %dma_start3A_99 = tpu.memref_slice %arg2[%add3A_98] : memref<8388608xf32, #tpu.memory_space<hbm>> -> memref<16384xf32, #tpu.memory_space<hbm>>
    %dma_start3A_100 = tpu.memref_slice %arg2[%add3A_98] : memref<8388608xf32, #tpu.memory_space<hbm>> -> memref<16384xf32, #tpu.memory_space<hbm>>
    tpu.enqueue_dma source(%dma_start3A_100 : memref<16384xf32, #tpu.memory_space<hbm>>) target(%arg6 : memref<16384xf32, #tpu.memory_space<vmem>>) target_semaphore(%arg10 : memref<!tpu.dma_semaphore, #tpu.memory_space<semaphore_mem>>)
    %add3A_101 = arith.constant 81920 : i32
    %add3A_102 = arith.addi %rem3A_3, %add3A_101 : i32
    %dma_start3A_103 = tpu.memref_slice %arg3[%add3A_102] : memref<2097152xf32, #tpu.memory_space<hbm>> -> memref<16384xf32, #tpu.memory_space<hbm>>
    %dma_start3A_104 = tpu.memref_slice %arg3[%add3A_102] : memref<2097152xf32, #tpu.memory_space<hbm>> -> memref<16384xf32, #tpu.memory_space<hbm>>
    tpu.enqueue_dma source(%dma_start3A_104 : memref<16384xf32, #tpu.memory_space<hbm>>) target(%arg8 : memref<16384xf32, #tpu.memory_space<vmem>>) target_semaphore(%arg12 : memref<!tpu.dma_semaphore, #tpu.memory_space<semaphore_mem>>)
    %parallel_loop3A_105 = arith.constant 0 : i32
    %parallel_loop3A_106 = arith.constant 1024 : i32
    %parallel_loop3A_107 = arith.constant 1 : i32
    scf.for %parallel_loop3A_337 = %parallel_loop3A_105 to %parallel_loop3A_106 step %parallel_loop3A_107  : i32 {
      %parallel_loop3A_338 = arith.constant 4 : i32
      %parallel_loop3A_339 = arith.shli %parallel_loop3A_337, %parallel_loop3A_338 : i32
      %parallel_loop3A_340 = tpu.assume_multiple %parallel_loop3A_339, 16 : i32
      %parallel_loop3A_341 = arith.index_cast %parallel_loop3A_340 : i32 to index
      %parallel_loop3A_342 = tpu.vector_load %arg7[%parallel_loop3A_341] {strides = array<i32>} : memref<16384xf32, #tpu.memory_space<vmem>>, vector<16xf32>,
      %parallel_loop3A_343 = vector.shape_cast %parallel_loop3A_342 : vector<16xf32> to vector<16xf32>
      %parallel_loop3A_344 = arith.index_cast %parallel_loop3A_340 : i32 to index
      %parallel_loop3A_345 = tpu.vector_load %arg5[%parallel_loop3A_344] {strides = array<i32>} : memref<16384xf32, #tpu.memory_space<vmem>>, vector<16xf32>,
      %parallel_loop3A_346 = vector.shape_cast %parallel_loop3A_345 : vector<16xf32> to vector<16xf32>
      %parallel_loop3A_347 = vector.shape_cast %parallel_loop3A_343 : vector<16xf32> to vector<16xf32>
      tpu.vector_store %arg5[%parallel_loop3A_344], %parallel_loop3A_347 {add = true, strides = array<i32>} : memref<16384xf32, #tpu.memory_space<vmem>>, vector<16xf32>,
    } {sc.loop_unroll_factor = 16 : i64, sc.parallel_access}
    %add3A_108 = arith.constant 65536 : i32
    %add3A_109 = arith.addi %mul3A_2, %add3A_108 : i32
    %dma_start3A_110 = tpu.memref_slice %arg4[%add3A_109] : memref<8388608xf32, #tpu.memory_space<hbm>> -> memref<16384xf32, #tpu.memory_space<hbm>>
    %dma_start3A_111 = tpu.memref_slice %arg4[%add3A_109] : memref<8388608xf32, #tpu.memory_space<hbm>> -> memref<16384xf32, #tpu.memory_space<hbm>>
    tpu.enqueue_dma source(%arg5 : memref<16384xf32, #tpu.memory_space<vmem>>) target(%dma_start3A_111 : memref<16384xf32, #tpu.memory_space<hbm>>) target_semaphore(%arg13 : memref<!tpu.dma_semaphore, #tpu.memory_space<semaphore_mem>>)
    %dma_wait3A_112 = tpu.memref_slice %arg2[%add3A_98] : memref<8388608xf32, #tpu.memory_space<hbm>> -> memref<16384xf32, #tpu.memory_space<hbm>>
    %dma_wait3A_113 = tpu.memref_slice %arg2[%add3A_98] : memref<8388608xf32, #tpu.memory_space<hbm>> -> memref<16384xf32, #tpu.memory_space<hbm>>
    tpu.wait_dma2 semaphore(%arg10 : memref<!tpu.dma_semaphore, #tpu.memory_space<semaphore_mem>>) src(%dma_wait3A_113 : memref<16384xf32, #tpu.memory_space<hbm>>) dst(%arg6 : memref<16384xf32, #tpu.memory_space<vmem>>)
    %dma_wait3A_114 = tpu.memref_slice %arg3[%add3A_102] : memref<2097152xf32, #tpu.memory_space<hbm>> -> memref<16384xf32, #tpu.memory_space<hbm>>
    %dma_wait3A_115 = tpu.memref_slice %arg3[%add3A_102] : memref<2097152xf32, #tpu.memory_space<hbm>> -> memref<16384xf32, #tpu.memory_space<hbm>>
    tpu.wait_dma2 semaphore(%arg12 : memref<!tpu.dma_semaphore, #tpu.memory_space<semaphore_mem>>) src(%dma_wait3A_115 : memref<16384xf32, #tpu.memory_space<hbm>>) dst(%arg8 : memref<16384xf32, #tpu.memory_space<vmem>>)
    %dma_wait3A_116 = tpu.memref_slice %arg4[%add3A_109] : memref<8388608xf32, #tpu.memory_space<hbm>> -> memref<16384xf32, #tpu.memory_space<hbm>>
    %dma_wait3A_117 = tpu.memref_slice %arg4[%add3A_109] : memref<8388608xf32, #tpu.memory_space<hbm>> -> memref<16384xf32, #tpu.memory_space<hbm>>
    tpu.wait_dma2 semaphore(%arg13 : memref<!tpu.dma_semaphore, #tpu.memory_space<semaphore_mem>>) src(%arg5 : memref<16384xf32, #tpu.memory_space<vmem>>) dst(%dma_wait3A_117 : memref<16384xf32, #tpu.memory_space<hbm>>)
    %add3A_118 = arith.constant 98304 : i32
    %add3A_119 = arith.addi %mul3A_2, %add3A_118 : i32
    %dma_start3A_120 = tpu.memref_slice %arg2[%add3A_119] : memref<8388608xf32, #tpu.memory_space<hbm>> -> memref<16384xf32, #tpu.memory_space<hbm>>
    %dma_start3A_121 = tpu.memref_slice %arg2[%add3A_119] : memref<8388608xf32, #tpu.memory_space<hbm>> -> memref<16384xf32, #tpu.memory_space<hbm>>
    tpu.enqueue_dma source(%dma_start3A_121 : memref<16384xf32, #tpu.memory_space<hbm>>) target(%arg5 : memref<16384xf32, #tpu.memory_space<vmem>>) target_semaphore(%arg9 : memref<!tpu.dma_semaphore, #tpu.memory_space<semaphore_mem>>)
    %add3A_122 = arith.constant 98304 : i32
    %add3A_123 = arith.addi %rem3A_3, %add3A_122 : i32
    %dma_start3A_124 = tpu.memref_slice %arg3[%add3A_123] : memref<2097152xf32, #tpu.memory_space<hbm>> -> memref<16384xf32, #tpu.memory_space<hbm>>
    %dma_start3A_125 = tpu.memref_slice %arg3[%add3A_123] : memref<2097152xf32, #tpu.memory_space<hbm>> -> memref<16384xf32, #tpu.memory_space<hbm>>
    tpu.enqueue_dma source(%dma_start3A_125 : memref<16384xf32, #tpu.memory_space<hbm>>) target(%arg7 : memref<16384xf32, #tpu.memory_space<vmem>>) target_semaphore(%arg11 : memref<!tpu.dma_semaphore, #tpu.memory_space<semaphore_mem>>)
    %parallel_loop3A_126 = arith.constant 0 : i32
    %parallel_loop3A_127 = arith.constant 1024 : i32
    %parallel_loop3A_128 = arith.constant 1 : i32
    scf.for %parallel_loop3A_337 = %parallel_loop3A_126 to %parallel_loop3A_127 step %parallel_loop3A_128  : i32 {
      %parallel_loop3A_338 = arith.constant 4 : i32
      %parallel_loop3A_339 = arith.shli %parallel_loop3A_337, %parallel_loop3A_338 : i32
      %parallel_loop3A_340 = tpu.assume_multiple %parallel_loop3A_339, 16 : i32
      %parallel_loop3A_341 = arith.index_cast %parallel_loop3A_340 : i32 to index
      %parallel_loop3A_342 = tpu.vector_load %arg8[%parallel_loop3A_341] {strides = array<i32>} : memref<16384xf32, #tpu.memory_space<vmem>>, vector<16xf32>,
      %parallel_loop3A_343 = vector.shape_cast %parallel_loop3A_342 : vector<16xf32> to vector<16xf32>
      %parallel_loop3A_344 = arith.index_cast %parallel_loop3A_340 : i32 to index
      %parallel_loop3A_345 = tpu.vector_load %arg6[%parallel_loop3A_344] {strides = array<i32>} : memref<16384xf32, #tpu.memory_space<vmem>>, vector<16xf32>,
      %parallel_loop3A_346 = vector.shape_cast %parallel_loop3A_345 : vector<16xf32> to vector<16xf32>
      %parallel_loop3A_347 = vector.shape_cast %parallel_loop3A_343 : vector<16xf32> to vector<16xf32>
      tpu.vector_store %arg6[%parallel_loop3A_344], %parallel_loop3A_347 {add = true, strides = array<i32>} : memref<16384xf32, #tpu.memory_space<vmem>>, vector<16xf32>,
    } {sc.loop_unroll_factor = 16 : i64, sc.parallel_access}
    %add3A_129 = arith.constant 81920 : i32
    %add3A_130 = arith.addi %mul3A_2, %add3A_129 : i32
    %dma_start3A_131 = tpu.memref_slice %arg4[%add3A_130] : memref<8388608xf32, #tpu.memory_space<hbm>> -> memref<16384xf32, #tpu.memory_space<hbm>>
    %dma_start3A_132 = tpu.memref_slice %arg4[%add3A_130] : memref<8388608xf32, #tpu.memory_space<hbm>> -> memref<16384xf32, #tpu.memory_space<hbm>>
    tpu.enqueue_dma source(%arg6 : memref<16384xf32, #tpu.memory_space<vmem>>) target(%dma_start3A_132 : memref<16384xf32, #tpu.memory_space<hbm>>) target_semaphore(%arg14 : memref<!tpu.dma_semaphore, #tpu.memory_space<semaphore_mem>>)
    %dma_wait3A_133 = tpu.memref_slice %arg2[%add3A_119] : memref<8388608xf32, #tpu.memory_space<hbm>> -> memref<16384xf32, #tpu.memory_space<hbm>>
    %dma_wait3A_134 = tpu.memref_slice %arg2[%add3A_119] : memref<8388608xf32, #tpu.memory_space<hbm>> -> memref<16384xf32, #tpu.memory_space<hbm>>
    tpu.wait_dma2 semaphore(%arg9 : memref<!tpu.dma_semaphore, #tpu.memory_space<semaphore_mem>>) src(%dma_wait3A_134 : memref<16384xf32, #tpu.memory_space<hbm>>) dst(%arg5 : memref<16384xf32, #tpu.memory_space<vmem>>)
    %dma_wait3A_135 = tpu.memref_slice %arg3[%add3A_123] : memref<2097152xf32, #tpu.memory_space<hbm>> -> memref<16384xf32, #tpu.memory_space<hbm>>
    %dma_wait3A_136 = tpu.memref_slice %arg3[%add3A_123] : memref<2097152xf32, #tpu.memory_space<hbm>> -> memref<16384xf32, #tpu.memory_space<hbm>>
    tpu.wait_dma2 semaphore(%arg11 : memref<!tpu.dma_semaphore, #tpu.memory_space<semaphore_mem>>) src(%dma_wait3A_136 : memref<16384xf32, #tpu.memory_space<hbm>>) dst(%arg7 : memref<16384xf32, #tpu.memory_space<vmem>>)
    %dma_wait3A_137 = tpu.memref_slice %arg4[%add3A_130] : memref<8388608xf32, #tpu.memory_space<hbm>> -> memref<16384xf32, #tpu.memory_space<hbm>>
    %dma_wait3A_138 = tpu.memref_slice %arg4[%add3A_130] : memref<8388608xf32, #tpu.memory_space<hbm>> -> memref<16384xf32, #tpu.memory_space<hbm>>
    tpu.wait_dma2 semaphore(%arg14 : memref<!tpu.dma_semaphore, #tpu.memory_space<semaphore_mem>>) src(%arg6 : memref<16384xf32, #tpu.memory_space<vmem>>) dst(%dma_wait3A_138 : memref<16384xf32, #tpu.memory_space<hbm>>)
    %add3A_139 = arith.constant 114688 : i32
    %add3A_140 = arith.addi %mul3A_2, %add3A_139 : i32
    %dma_start3A_141 = tpu.memref_slice %arg2[%add3A_140] : memref<8388608xf32, #tpu.memory_space<hbm>> -> memref<16384xf32, #tpu.memory_space<hbm>>
    %dma_start3A_142 = tpu.memref_slice %arg2[%add3A_140] : memref<8388608xf32, #tpu.memory_space<hbm>> -> memref<16384xf32, #tpu.memory_space<hbm>>
    tpu.enqueue_dma source(%dma_start3A_142 : memref<16384xf32, #tpu.memory_space<hbm>>) target(%arg6 : memref<16384xf32, #tpu.memory_space<vmem>>) target_semaphore(%arg10 : memref<!tpu.dma_semaphore, #tpu.memory_space<semaphore_mem>>)
    %add3A_143 = arith.constant 114688 : i32
    %add3A_144 = arith.addi %rem3A_3, %add3A_143 : i32
    %dma_start3A_145 = tpu.memref_slice %arg3[%add3A_144] : memref<2097152xf32, #tpu.memory_space<hbm>> -> memref<16384xf32, #tpu.memory_space<hbm>>
    %dma_start3A_146 = tpu.memref_slice %arg3[%add3A_144] : memref<2097152xf32, #tpu.memory_space<hbm>> -> memref<16384xf32, #tpu.memory_space<hbm>>
    tpu.enqueue_dma source(%dma_start3A_146 : memref<16384xf32, #tpu.memory_space<hbm>>) target(%arg8 : memref<16384xf32, #tpu.memory_space<vmem>>) target_semaphore(%arg12 : memref<!tpu.dma_semaphore, #tpu.memory_space<semaphore_mem>>)
    %parallel_loop3A_147 = arith.constant 0 : i32
    %parallel_loop3A_148 = arith.constant 1024 : i32
    %parallel_loop3A_149 = arith.constant 1 : i32
    scf.for %parallel_loop3A_337 = %parallel_loop3A_147 to %parallel_loop3A_148 step %parallel_loop3A_149  : i32 {
      %parallel_loop3A_338 = arith.constant 4 : i32
      %parallel_loop3A_339 = arith.shli %parallel_loop3A_337, %parallel_loop3A_338 : i32
      %parallel_loop3A_340 = tpu.assume_multiple %parallel_loop3A_339, 16 : i32
      %parallel_loop3A_341 = arith.index_cast %parallel_loop3A_340 : i32 to index
      %parallel_loop3A_342 = tpu.vector_load %arg7[%parallel_loop3A_341] {strides = array<i32>} : memref<16384xf32, #tpu.memory_space<vmem>>, vector<16xf32>,
      %parallel_loop3A_343 = vector.shape_cast %parallel_loop3A_342 : vector<16xf32> to vector<16xf32>
      %parallel_loop3A_344 = arith.index_cast %parallel_loop3A_340 : i32 to index
      %parallel_loop3A_345 = tpu.vector_load %arg5[%parallel_loop3A_344] {strides = array<i32>} : memref<16384xf32, #tpu.memory_space<vmem>>, vector<16xf32>,
      %parallel_loop3A_346 = vector.shape_cast %parallel_loop3A_345 : vector<16xf32> to vector<16xf32>
      %parallel_loop3A_347 = vector.shape_cast %parallel_loop3A_343 : vector<16xf32> to vector<16xf32>
      tpu.vector_store %arg5[%parallel_loop3A_344], %parallel_loop3A_347 {add = true, strides = array<i32>} : memref<16384xf32, #tpu.memory_space<vmem>>, vector<16xf32>,
    } {sc.loop_unroll_factor = 16 : i64, sc.parallel_access}
    %add3A_150 = arith.constant 98304 : i32
    %add3A_151 = arith.addi %mul3A_2, %add3A_150 : i32
    %dma_start3A_152 = tpu.memref_slice %arg4[%add3A_151] : memref<8388608xf32, #tpu.memory_space<hbm>> -> memref<16384xf32, #tpu.memory_space<hbm>>
    %dma_start3A_153 = tpu.memref_slice %arg4[%add3A_151] : memref<8388608xf32, #tpu.memory_space<hbm>> -> memref<16384xf32, #tpu.memory_space<hbm>>
    tpu.enqueue_dma source(%arg5 : memref<16384xf32, #tpu.memory_space<vmem>>) target(%dma_start3A_153 : memref<16384xf32, #tpu.memory_space<hbm>>) target_semaphore(%arg13 : memref<!tpu.dma_semaphore, #tpu.memory_space<semaphore_mem>>)
    %dma_wait3A_154 = tpu.memref_slice %arg2[%add3A_140] : memref<8388608xf32, #tpu.memory_space<hbm>> -> memref<16384xf32, #tpu.memory_space<hbm>>
    %dma_wait3A_155 = tpu.memref_slice %arg2[%add3A_140] : memref<8388608xf32, #tpu.memory_space<hbm>> -> memref<16384xf32, #tpu.memory_space<hbm>>
    tpu.wait_dma2 semaphore(%arg10 : memref<!tpu.dma_semaphore, #tpu.memory_space<semaphore_mem>>) src(%dma_wait3A_155 : memref<16384xf32, #tpu.memory_space<hbm>>) dst(%arg6 : memref<16384xf32, #tpu.memory_space<vmem>>)
    %dma_wait3A_156 = tpu.memref_slice %arg3[%add3A_144] : memref<2097152xf32, #tpu.memory_space<hbm>> -> memref<16384xf32, #tpu.memory_space<hbm>>
    %dma_wait3A_157 = tpu.memref_slice %arg3[%add3A_144] : memref<2097152xf32, #tpu.memory_space<hbm>> -> memref<16384xf32, #tpu.memory_space<hbm>>
    tpu.wait_dma2 semaphore(%arg12 : memref<!tpu.dma_semaphore, #tpu.memory_space<semaphore_mem>>) src(%dma_wait3A_157 : memref<16384xf32, #tpu.memory_space<hbm>>) dst(%arg8 : memref<16384xf32, #tpu.memory_space<vmem>>)
    %dma_wait3A_158 = tpu.memref_slice %arg4[%add3A_151] : memref<8388608xf32, #tpu.memory_space<hbm>> -> memref<16384xf32, #tpu.memory_space<hbm>>
    %dma_wait3A_159 = tpu.memref_slice %arg4[%add3A_151] : memref<8388608xf32, #tpu.memory_space<hbm>> -> memref<16384xf32, #tpu.memory_space<hbm>>
    tpu.wait_dma2 semaphore(%arg13 : memref<!tpu.dma_semaphore, #tpu.memory_space<semaphore_mem>>) src(%arg5 : memref<16384xf32, #tpu.memory_space<vmem>>) dst(%dma_wait3A_159 : memref<16384xf32, #tpu.memory_space<hbm>>)
    %add3A_160 = arith.constant 131072 : i32
    %add3A_161 = arith.addi %mul3A_2, %add3A_160 : i32
    %dma_start3A_162 = tpu.memref_slice %arg2[%add3A_161] : memref<8388608xf32, #tpu.memory_space<hbm>> -> memref<16384xf32, #tpu.memory_space<hbm>>
    %dma_start3A_163 = tpu.memref_slice %arg2[%add3A_161] : memref<8388608xf32, #tpu.memory_space<hbm>> -> memref<16384xf32, #tpu.memory_space<hbm>>
    tpu.enqueue_dma source(%dma_start3A_163 : memref<16384xf32, #tpu.memory_space<hbm>>) target(%arg5 : memref<16384xf32, #tpu.memory_space<vmem>>) target_semaphore(%arg9 : memref<!tpu.dma_semaphore, #tpu.memory_space<semaphore_mem>>)
    %add3A_164 = arith.constant 131072 : i32
    %add3A_165 = arith.addi %rem3A_3, %add3A_164 : i32
    %dma_start3A_166 = tpu.memref_slice %arg3[%add3A_165] : memref<2097152xf32, #tpu.memory_space<hbm>> -> memref<16384xf32, #tpu.memory_space<hbm>>
    %dma_start3A_167 = tpu.memref_slice %arg3[%add3A_165] : memref<2097152xf32, #tpu.memory_space<hbm>> -> memref<16384xf32, #tpu.memory_space<hbm>>
    tpu.enqueue_dma source(%dma_start3A_167 : memref<16384xf32, #tpu.memory_space<hbm>>) target(%arg7 : memref<16384xf32, #tpu.memory_space<vmem>>) target_semaphore(%arg11 : memref<!tpu.dma_semaphore, #tpu.memory_space<semaphore_mem>>)
    %parallel_loop3A_168 = arith.constant 0 : i32
    %parallel_loop3A_169 = arith.constant 1024 : i32
    %parallel_loop3A_170 = arith.constant 1 : i32
    scf.for %parallel_loop3A_337 = %parallel_loop3A_168 to %parallel_loop3A_169 step %parallel_loop3A_170  : i32 {
      %parallel_loop3A_338 = arith.constant 4 : i32
      %parallel_loop3A_339 = arith.shli %parallel_loop3A_337, %parallel_loop3A_338 : i32
      %parallel_loop3A_340 = tpu.assume_multiple %parallel_loop3A_339, 16 : i32
      %parallel_loop3A_341 = arith.index_cast %parallel_loop3A_340 : i32 to index
      %parallel_loop3A_342 = tpu.vector_load %arg8[%parallel_loop3A_341] {strides = array<i32>} : memref<16384xf32, #tpu.memory_space<vmem>>, vector<16xf32>,
      %parallel_loop3A_343 = vector.shape_cast %parallel_loop3A_342 : vector<16xf32> to vector<16xf32>
      %parallel_loop3A_344 = arith.index_cast %parallel_loop3A_340 : i32 to index
      %parallel_loop3A_345 = tpu.vector_load %arg6[%parallel_loop3A_344] {strides = array<i32>} : memref<16384xf32, #tpu.memory_space<vmem>>, vector<16xf32>,
      %parallel_loop3A_346 = vector.shape_cast %parallel_loop3A_345 : vector<16xf32> to vector<16xf32>
      %parallel_loop3A_347 = vector.shape_cast %parallel_loop3A_343 : vector<16xf32> to vector<16xf32>
      tpu.vector_store %arg6[%parallel_loop3A_344], %parallel_loop3A_347 {add = true, strides = array<i32>} : memref<16384xf32, #tpu.memory_space<vmem>>, vector<16xf32>,
    } {sc.loop_unroll_factor = 16 : i64, sc.parallel_access}
    %add3A_171 = arith.constant 114688 : i32
    %add3A_172 = arith.addi %mul3A_2, %add3A_171 : i32
    %dma_start3A_173 = tpu.memref_slice %arg4[%add3A_172] : memref<8388608xf32, #tpu.memory_space<hbm>> -> memref<16384xf32, #tpu.memory_space<hbm>>
    %dma_start3A_174 = tpu.memref_slice %arg4[%add3A_172] : memref<8388608xf32, #tpu.memory_space<hbm>> -> memref<16384xf32, #tpu.memory_space<hbm>>
    tpu.enqueue_dma source(%arg6 : memref<16384xf32, #tpu.memory_space<vmem>>) target(%dma_start3A_174 : memref<16384xf32, #tpu.memory_space<hbm>>) target_semaphore(%arg14 : memref<!tpu.dma_semaphore, #tpu.memory_space<semaphore_mem>>)
    %dma_wait3A_175 = tpu.memref_slice %arg2[%add3A_161] : memref<8388608xf32, #tpu.memory_space<hbm>> -> memref<16384xf32, #tpu.memory_space<hbm>>
    %dma_wait3A_176 = tpu.memref_slice %arg2[%add3A_161] : memref<8388608xf32, #tpu.memory_space<hbm>> -> memref<16384xf32, #tpu.memory_space<hbm>>
    tpu.wait_dma2 semaphore(%arg9 : memref<!tpu.dma_semaphore, #tpu.memory_space<semaphore_mem>>) src(%dma_wait3A_176 : memref<16384xf32, #tpu.memory_space<hbm>>) dst(%arg5 : memref<16384xf32, #tpu.memory_space<vmem>>)
    %dma_wait3A_177 = tpu.memref_slice %arg3[%add3A_165] : memref<2097152xf32, #tpu.memory_space<hbm>> -> memref<16384xf32, #tpu.memory_space<hbm>>
    %dma_wait3A_178 = tpu.memref_slice %arg3[%add3A_165] : memref<2097152xf32, #tpu.memory_space<hbm>> -> memref<16384xf32, #tpu.memory_space<hbm>>
    tpu.wait_dma2 semaphore(%arg11 : memref<!tpu.dma_semaphore, #tpu.memory_space<semaphore_mem>>) src(%dma_wait3A_178 : memref<16384xf32, #tpu.memory_space<hbm>>) dst(%arg7 : memref<16384xf32, #tpu.memory_space<vmem>>)
    %dma_wait3A_179 = tpu.memref_slice %arg4[%add3A_172] : memref<8388608xf32, #tpu.memory_space<hbm>> -> memref<16384xf32, #tpu.memory_space<hbm>>
    %dma_wait3A_180 = tpu.memref_slice %arg4[%add3A_172] : memref<8388608xf32, #tpu.memory_space<hbm>> -> memref<16384xf32, #tpu.memory_space<hbm>>
    tpu.wait_dma2 semaphore(%arg14 : memref<!tpu.dma_semaphore, #tpu.memory_space<semaphore_mem>>) src(%arg6 : memref<16384xf32, #tpu.memory_space<vmem>>) dst(%dma_wait3A_180 : memref<16384xf32, #tpu.memory_space<hbm>>)
    %add3A_181 = arith.constant 147456 : i32
    %add3A_182 = arith.addi %mul3A_2, %add3A_181 : i32
    %dma_start3A_183 = tpu.memref_slice %arg2[%add3A_182] : memref<8388608xf32, #tpu.memory_space<hbm>> -> memref<16384xf32, #tpu.memory_space<hbm>>
    %dma_start3A_184 = tpu.memref_slice %arg2[%add3A_182] : memref<8388608xf32, #tpu.memory_space<hbm>> -> memref<16384xf32, #tpu.memory_space<hbm>>
    tpu.enqueue_dma source(%dma_start3A_184 : memref<16384xf32, #tpu.memory_space<hbm>>) target(%arg6 : memref<16384xf32, #tpu.memory_space<vmem>>) target_semaphore(%arg10 : memref<!tpu.dma_semaphore, #tpu.memory_space<semaphore_mem>>)
    %add3A_185 = arith.constant 147456 : i32
    %add3A_186 = arith.addi %rem3A_3, %add3A_185 : i32
    %dma_start3A_187 = tpu.memref_slice %arg3[%add3A_186] : memref<2097152xf32, #tpu.memory_space<hbm>> -> memref<16384xf32, #tpu.memory_space<hbm>>
    %dma_start3A_188 = tpu.memref_slice %arg3[%add3A_186] : memref<2097152xf32, #tpu.memory_space<hbm>> -> memref<16384xf32, #tpu.memory_space<hbm>>
    tpu.enqueue_dma source(%dma_start3A_188 : memref<16384xf32, #tpu.memory_space<hbm>>) target(%arg8 : memref<16384xf32, #tpu.memory_space<vmem>>) target_semaphore(%arg12 : memref<!tpu.dma_semaphore, #tpu.memory_space<semaphore_mem>>)
    %parallel_loop3A_189 = arith.constant 0 : i32
    %parallel_loop3A_190 = arith.constant 1024 : i32
    %parallel_loop3A_191 = arith.constant 1 : i32
    scf.for %parallel_loop3A_337 = %parallel_loop3A_189 to %parallel_loop3A_190 step %parallel_loop3A_191  : i32 {
      %parallel_loop3A_338 = arith.constant 4 : i32
      %parallel_loop3A_339 = arith.shli %parallel_loop3A_337, %parallel_loop3A_338 : i32
      %parallel_loop3A_340 = tpu.assume_multiple %parallel_loop3A_339, 16 : i32
      %parallel_loop3A_341 = arith.index_cast %parallel_loop3A_340 : i32 to index
      %parallel_loop3A_342 = tpu.vector_load %arg7[%parallel_loop3A_341] {strides = array<i32>} : memref<16384xf32, #tpu.memory_space<vmem>>, vector<16xf32>,
      %parallel_loop3A_343 = vector.shape_cast %parallel_loop3A_342 : vector<16xf32> to vector<16xf32>
      %parallel_loop3A_344 = arith.index_cast %parallel_loop3A_340 : i32 to index
      %parallel_loop3A_345 = tpu.vector_load %arg5[%parallel_loop3A_344] {strides = array<i32>} : memref<16384xf32, #tpu.memory_space<vmem>>, vector<16xf32>,
      %parallel_loop3A_346 = vector.shape_cast %parallel_loop3A_345 : vector<16xf32> to vector<16xf32>
      %parallel_loop3A_347 = vector.shape_cast %parallel_loop3A_343 : vector<16xf32> to vector<16xf32>
      tpu.vector_store %arg5[%parallel_loop3A_344], %parallel_loop3A_347 {add = true, strides = array<i32>} : memref<16384xf32, #tpu.memory_space<vmem>>, vector<16xf32>,
    } {sc.loop_unroll_factor = 16 : i64, sc.parallel_access}
    %add3A_192 = arith.constant 131072 : i32
    %add3A_193 = arith.addi %mul3A_2, %add3A_192 : i32
    %dma_start3A_194 = tpu.memref_slice %arg4[%add3A_193] : memref<8388608xf32, #tpu.memory_space<hbm>> -> memref<16384xf32, #tpu.memory_space<hbm>>
    %dma_start3A_195 = tpu.memref_slice %arg4[%add3A_193] : memref<8388608xf32, #tpu.memory_space<hbm>> -> memref<16384xf32, #tpu.memory_space<hbm>>
    tpu.enqueue_dma source(%arg5 : memref<16384xf32, #tpu.memory_space<vmem>>) target(%dma_start3A_195 : memref<16384xf32, #tpu.memory_space<hbm>>) target_semaphore(%arg13 : memref<!tpu.dma_semaphore, #tpu.memory_space<semaphore_mem>>)
    %dma_wait3A_196 = tpu.memref_slice %arg2[%add3A_182] : memref<8388608xf32, #tpu.memory_space<hbm>> -> memref<16384xf32, #tpu.memory_space<hbm>>
    %dma_wait3A_197 = tpu.memref_slice %arg2[%add3A_182] : memref<8388608xf32, #tpu.memory_space<hbm>> -> memref<16384xf32, #tpu.memory_space<hbm>>
    tpu.wait_dma2 semaphore(%arg10 : memref<!tpu.dma_semaphore, #tpu.memory_space<semaphore_mem>>) src(%dma_wait3A_197 : memref<16384xf32, #tpu.memory_space<hbm>>) dst(%arg6 : memref<16384xf32, #tpu.memory_space<vmem>>)
    %dma_wait3A_198 = tpu.memref_slice %arg3[%add3A_186] : memref<2097152xf32, #tpu.memory_space<hbm>> -> memref<16384xf32, #tpu.memory_space<hbm>>
    %dma_wait3A_199 = tpu.memref_slice %arg3[%add3A_186] : memref<2097152xf32, #tpu.memory_space<hbm>> -> memref<16384xf32, #tpu.memory_space<hbm>>
    tpu.wait_dma2 semaphore(%arg12 : memref<!tpu.dma_semaphore, #tpu.memory_space<semaphore_mem>>) src(%dma_wait3A_199 : memref<16384xf32, #tpu.memory_space<hbm>>) dst(%arg8 : memref<16384xf32, #tpu.memory_space<vmem>>)
    %dma_wait3A_200 = tpu.memref_slice %arg4[%add3A_193] : memref<8388608xf32, #tpu.memory_space<hbm>> -> memref<16384xf32, #tpu.memory_space<hbm>>
    %dma_wait3A_201 = tpu.memref_slice %arg4[%add3A_193] : memref<8388608xf32, #tpu.memory_space<hbm>> -> memref<16384xf32, #tpu.memory_space<hbm>>
    tpu.wait_dma2 semaphore(%arg13 : memref<!tpu.dma_semaphore, #tpu.memory_space<semaphore_mem>>) src(%arg5 : memref<16384xf32, #tpu.memory_space<vmem>>) dst(%dma_wait3A_201 : memref<16384xf32, #tpu.memory_space<hbm>>)
    %add3A_202 = arith.constant 163840 : i32
    %add3A_203 = arith.addi %mul3A_2, %add3A_202 : i32
    %dma_start3A_204 = tpu.memref_slice %arg2[%add3A_203] : memref<8388608xf32, #tpu.memory_space<hbm>> -> memref<16384xf32, #tpu.memory_space<hbm>>
    %dma_start3A_205 = tpu.memref_slice %arg2[%add3A_203] : memref<8388608xf32, #tpu.memory_space<hbm>> -> memref<16384xf32, #tpu.memory_space<hbm>>
    tpu.enqueue_dma source(%dma_start3A_205 : memref<16384xf32, #tpu.memory_space<hbm>>) target(%arg5 : memref<16384xf32, #tpu.memory_space<vmem>>) target_semaphore(%arg9 : memref<!tpu.dma_semaphore, #tpu.memory_space<semaphore_mem>>)
    %add3A_206 = arith.constant 163840 : i32
    %add3A_207 = arith.addi %rem3A_3, %add3A_206 : i32
    %dma_start3A_208 = tpu.memref_slice %arg3[%add3A_207] : memref<2097152xf32, #tpu.memory_space<hbm>> -> memref<16384xf32, #tpu.memory_space<hbm>>
    %dma_start3A_209 = tpu.memref_slice %arg3[%add3A_207] : memref<2097152xf32, #tpu.memory_space<hbm>> -> memref<16384xf32, #tpu.memory_space<hbm>>
    tpu.enqueue_dma source(%dma_start3A_209 : memref<16384xf32, #tpu.memory_space<hbm>>) target(%arg7 : memref<16384xf32, #tpu.memory_space<vmem>>) target_semaphore(%arg11 : memref<!tpu.dma_semaphore, #tpu.memory_space<semaphore_mem>>)
    %parallel_loop3A_210 = arith.constant 0 : i32
    %parallel_loop3A_211 = arith.constant 1024 : i32
    %parallel_loop3A_212 = arith.constant 1 : i32
    scf.for %parallel_loop3A_337 = %parallel_loop3A_210 to %parallel_loop3A_211 step %parallel_loop3A_212  : i32 {
      %parallel_loop3A_338 = arith.constant 4 : i32
      %parallel_loop3A_339 = arith.shli %parallel_loop3A_337, %parallel_loop3A_338 : i32
      %parallel_loop3A_340 = tpu.assume_multiple %parallel_loop3A_339, 16 : i32
      %parallel_loop3A_341 = arith.index_cast %parallel_loop3A_340 : i32 to index
      %parallel_loop3A_342 = tpu.vector_load %arg8[%parallel_loop3A_341] {strides = array<i32>} : memref<16384xf32, #tpu.memory_space<vmem>>, vector<16xf32>,
      %parallel_loop3A_343 = vector.shape_cast %parallel_loop3A_342 : vector<16xf32> to vector<16xf32>
      %parallel_loop3A_344 = arith.index_cast %parallel_loop3A_340 : i32 to index
      %parallel_loop3A_345 = tpu.vector_load %arg6[%parallel_loop3A_344] {strides = array<i32>} : memref<16384xf32, #tpu.memory_space<vmem>>, vector<16xf32>,
      %parallel_loop3A_346 = vector.shape_cast %parallel_loop3A_345 : vector<16xf32> to vector<16xf32>
      %parallel_loop3A_347 = vector.shape_cast %parallel_loop3A_343 : vector<16xf32> to vector<16xf32>
      tpu.vector_store %arg6[%parallel_loop3A_344], %parallel_loop3A_347 {add = true, strides = array<i32>} : memref<16384xf32, #tpu.memory_space<vmem>>, vector<16xf32>,
    } {sc.loop_unroll_factor = 16 : i64, sc.parallel_access}
    %add3A_213 = arith.constant 147456 : i32
    %add3A_214 = arith.addi %mul3A_2, %add3A_213 : i32
    %dma_start3A_215 = tpu.memref_slice %arg4[%add3A_214] : memref<8388608xf32, #tpu.memory_space<hbm>> -> memref<16384xf32, #tpu.memory_space<hbm>>
    %dma_start3A_216 = tpu.memref_slice %arg4[%add3A_214] : memref<8388608xf32, #tpu.memory_space<hbm>> -> memref<16384xf32, #tpu.memory_space<hbm>>
    tpu.enqueue_dma source(%arg6 : memref<16384xf32, #tpu.memory_space<vmem>>) target(%dma_start3A_216 : memref<16384xf32, #tpu.memory_space<hbm>>) target_semaphore(%arg14 : memref<!tpu.dma_semaphore, #tpu.memory_space<semaphore_mem>>)
    %dma_wait3A_217 = tpu.memref_slice %arg2[%add3A_203] : memref<8388608xf32, #tpu.memory_space<hbm>> -> memref<16384xf32, #tpu.memory_space<hbm>>
    %dma_wait3A_218 = tpu.memref_slice %arg2[%add3A_203] : memref<8388608xf32, #tpu.memory_space<hbm>> -> memref<16384xf32, #tpu.memory_space<hbm>>
    tpu.wait_dma2 semaphore(%arg9 : memref<!tpu.dma_semaphore, #tpu.memory_space<semaphore_mem>>) src(%dma_wait3A_218 : memref<16384xf32, #tpu.memory_space<hbm>>) dst(%arg5 : memref<16384xf32, #tpu.memory_space<vmem>>)
    %dma_wait3A_219 = tpu.memref_slice %arg3[%add3A_207] : memref<2097152xf32, #tpu.memory_space<hbm>> -> memref<16384xf32, #tpu.memory_space<hbm>>
    %dma_wait3A_220 = tpu.memref_slice %arg3[%add3A_207] : memref<2097152xf32, #tpu.memory_space<hbm>> -> memref<16384xf32, #tpu.memory_space<hbm>>
    tpu.wait_dma2 semaphore(%arg11 : memref<!tpu.dma_semaphore, #tpu.memory_space<semaphore_mem>>) src(%dma_wait3A_220 : memref<16384xf32, #tpu.memory_space<hbm>>) dst(%arg7 : memref<16384xf32, #tpu.memory_space<vmem>>)
    %dma_wait3A_221 = tpu.memref_slice %arg4[%add3A_214] : memref<8388608xf32, #tpu.memory_space<hbm>> -> memref<16384xf32, #tpu.memory_space<hbm>>
    %dma_wait3A_222 = tpu.memref_slice %arg4[%add3A_214] : memref<8388608xf32, #tpu.memory_space<hbm>> -> memref<16384xf32, #tpu.memory_space<hbm>>
    tpu.wait_dma2 semaphore(%arg14 : memref<!tpu.dma_semaphore, #tpu.memory_space<semaphore_mem>>) src(%arg6 : memref<16384xf32, #tpu.memory_space<vmem>>) dst(%dma_wait3A_222 : memref<16384xf32, #tpu.memory_space<hbm>>)
    %add3A_223 = arith.constant 180224 : i32
    %add3A_224 = arith.addi %mul3A_2, %add3A_223 : i32
    %dma_start3A_225 = tpu.memref_slice %arg2[%add3A_224] : memref<8388608xf32, #tpu.memory_space<hbm>> -> memref<16384xf32, #tpu.memory_space<hbm>>
    %dma_start3A_226 = tpu.memref_slice %arg2[%add3A_224] : memref<8388608xf32, #tpu.memory_space<hbm>> -> memref<16384xf32, #tpu.memory_space<hbm>>
    tpu.enqueue_dma source(%dma_start3A_226 : memref<16384xf32, #tpu.memory_space<hbm>>) target(%arg6 : memref<16384xf32, #tpu.memory_space<vmem>>) target_semaphore(%arg10 : memref<!tpu.dma_semaphore, #tpu.memory_space<semaphore_mem>>)
    %add3A_227 = arith.constant 180224 : i32
    %add3A_228 = arith.addi %rem3A_3, %add3A_227 : i32
    %dma_start3A_229 = tpu.memref_slice %arg3[%add3A_228] : memref<2097152xf32, #tpu.memory_space<hbm>> -> memref<16384xf32, #tpu.memory_space<hbm>>
    %dma_start3A_230 = tpu.memref_slice %arg3[%add3A_228] : memref<2097152xf32, #tpu.memory_space<hbm>> -> memref<16384xf32, #tpu.memory_space<hbm>>
    tpu.enqueue_dma source(%dma_start3A_230 : memref<16384xf32, #tpu.memory_space<hbm>>) target(%arg8 : memref<16384xf32, #tpu.memory_space<vmem>>) target_semaphore(%arg12 : memref<!tpu.dma_semaphore, #tpu.memory_space<semaphore_mem>>)
    %parallel_loop3A_231 = arith.constant 0 : i32
    %parallel_loop3A_232 = arith.constant 1024 : i32
    %parallel_loop3A_233 = arith.constant 1 : i32
    scf.for %parallel_loop3A_337 = %parallel_loop3A_231 to %parallel_loop3A_232 step %parallel_loop3A_233  : i32 {
      %parallel_loop3A_338 = arith.constant 4 : i32
      %parallel_loop3A_339 = arith.shli %parallel_loop3A_337, %parallel_loop3A_338 : i32
      %parallel_loop3A_340 = tpu.assume_multiple %parallel_loop3A_339, 16 : i32
      %parallel_loop3A_341 = arith.index_cast %parallel_loop3A_340 : i32 to index
      %parallel_loop3A_342 = tpu.vector_load %arg7[%parallel_loop3A_341] {strides = array<i32>} : memref<16384xf32, #tpu.memory_space<vmem>>, vector<16xf32>,
      %parallel_loop3A_343 = vector.shape_cast %parallel_loop3A_342 : vector<16xf32> to vector<16xf32>
      %parallel_loop3A_344 = arith.index_cast %parallel_loop3A_340 : i32 to index
      %parallel_loop3A_345 = tpu.vector_load %arg5[%parallel_loop3A_344] {strides = array<i32>} : memref<16384xf32, #tpu.memory_space<vmem>>, vector<16xf32>,
      %parallel_loop3A_346 = vector.shape_cast %parallel_loop3A_345 : vector<16xf32> to vector<16xf32>
      %parallel_loop3A_347 = vector.shape_cast %parallel_loop3A_343 : vector<16xf32> to vector<16xf32>
      tpu.vector_store %arg5[%parallel_loop3A_344], %parallel_loop3A_347 {add = true, strides = array<i32>} : memref<16384xf32, #tpu.memory_space<vmem>>, vector<16xf32>,
    } {sc.loop_unroll_factor = 16 : i64, sc.parallel_access}
    %add3A_234 = arith.constant 163840 : i32
    %add3A_235 = arith.addi %mul3A_2, %add3A_234 : i32
    %dma_start3A_236 = tpu.memref_slice %arg4[%add3A_235] : memref<8388608xf32, #tpu.memory_space<hbm>> -> memref<16384xf32, #tpu.memory_space<hbm>>
    %dma_start3A_237 = tpu.memref_slice %arg4[%add3A_235] : memref<8388608xf32, #tpu.memory_space<hbm>> -> memref<16384xf32, #tpu.memory_space<hbm>>
    tpu.enqueue_dma source(%arg5 : memref<16384xf32, #tpu.memory_space<vmem>>) target(%dma_start3A_237 : memref<16384xf32, #tpu.memory_space<hbm>>) target_semaphore(%arg13 : memref<!tpu.dma_semaphore, #tpu.memory_space<semaphore_mem>>)
    %dma_wait3A_238 = tpu.memref_slice %arg2[%add3A_224] : memref<8388608xf32, #tpu.memory_space<hbm>> -> memref<16384xf32, #tpu.memory_space<hbm>>
    %dma_wait3A_239 = tpu.memref_slice %arg2[%add3A_224] : memref<8388608xf32, #tpu.memory_space<hbm>> -> memref<16384xf32, #tpu.memory_space<hbm>>
    tpu.wait_dma2 semaphore(%arg10 : memref<!tpu.dma_semaphore, #tpu.memory_space<semaphore_mem>>) src(%dma_wait3A_239 : memref<16384xf32, #tpu.memory_space<hbm>>) dst(%arg6 : memref<16384xf32, #tpu.memory_space<vmem>>)
    %dma_wait3A_240 = tpu.memref_slice %arg3[%add3A_228] : memref<2097152xf32, #tpu.memory_space<hbm>> -> memref<16384xf32, #tpu.memory_space<hbm>>
    %dma_wait3A_241 = tpu.memref_slice %arg3[%add3A_228] : memref<2097152xf32, #tpu.memory_space<hbm>> -> memref<16384xf32, #tpu.memory_space<hbm>>
    tpu.wait_dma2 semaphore(%arg12 : memref<!tpu.dma_semaphore, #tpu.memory_space<semaphore_mem>>) src(%dma_wait3A_241 : memref<16384xf32, #tpu.memory_space<hbm>>) dst(%arg8 : memref<16384xf32, #tpu.memory_space<vmem>>)
    %dma_wait3A_242 = tpu.memref_slice %arg4[%add3A_235] : memref<8388608xf32, #tpu.memory_space<hbm>> -> memref<16384xf32, #tpu.memory_space<hbm>>
    %dma_wait3A_243 = tpu.memref_slice %arg4[%add3A_235] : memref<8388608xf32, #tpu.memory_space<hbm>> -> memref<16384xf32, #tpu.memory_space<hbm>>
    tpu.wait_dma2 semaphore(%arg13 : memref<!tpu.dma_semaphore, #tpu.memory_space<semaphore_mem>>) src(%arg5 : memref<16384xf32, #tpu.memory_space<vmem>>) dst(%dma_wait3A_243 : memref<16384xf32, #tpu.memory_space<hbm>>)
    %add3A_244 = arith.constant 196608 : i32
    %add3A_245 = arith.addi %mul3A_2, %add3A_244 : i32
    %dma_start3A_246 = tpu.memref_slice %arg2[%add3A_245] : memref<8388608xf32, #tpu.memory_space<hbm>> -> memref<16384xf32, #tpu.memory_space<hbm>>
    %dma_start3A_247 = tpu.memref_slice %arg2[%add3A_245] : memref<8388608xf32, #tpu.memory_space<hbm>> -> memref<16384xf32, #tpu.memory_space<hbm>>
    tpu.enqueue_dma source(%dma_start3A_247 : memref<16384xf32, #tpu.memory_space<hbm>>) target(%arg5 : memref<16384xf32, #tpu.memory_space<vmem>>) target_semaphore(%arg9 : memref<!tpu.dma_semaphore, #tpu.memory_space<semaphore_mem>>)
    %add3A_248 = arith.constant 196608 : i32
    %add3A_249 = arith.addi %rem3A_3, %add3A_248 : i32
    %dma_start3A_250 = tpu.memref_slice %arg3[%add3A_249] : memref<2097152xf32, #tpu.memory_space<hbm>> -> memref<16384xf32, #tpu.memory_space<hbm>>
    %dma_start3A_251 = tpu.memref_slice %arg3[%add3A_249] : memref<2097152xf32, #tpu.memory_space<hbm>> -> memref<16384xf32, #tpu.memory_space<hbm>>
    tpu.enqueue_dma source(%dma_start3A_251 : memref<16384xf32, #tpu.memory_space<hbm>>) target(%arg7 : memref<16384xf32, #tpu.memory_space<vmem>>) target_semaphore(%arg11 : memref<!tpu.dma_semaphore, #tpu.memory_space<semaphore_mem>>)
    %parallel_loop3A_252 = arith.constant 0 : i32
    %parallel_loop3A_253 = arith.constant 1024 : i32
    %parallel_loop3A_254 = arith.constant 1 : i32
    scf.for %parallel_loop3A_337 = %parallel_loop3A_252 to %parallel_loop3A_253 step %parallel_loop3A_254  : i32 {
      %parallel_loop3A_338 = arith.constant 4 : i32
      %parallel_loop3A_339 = arith.shli %parallel_loop3A_337, %parallel_loop3A_338 : i32
      %parallel_loop3A_340 = tpu.assume_multiple %parallel_loop3A_339, 16 : i32
      %parallel_loop3A_341 = arith.index_cast %parallel_loop3A_340 : i32 to index
      %parallel_loop3A_342 = tpu.vector_load %arg8[%parallel_loop3A_341] {strides = array<i32>} : memref<16384xf32, #tpu.memory_space<vmem>>, vector<16xf32>,
      %parallel_loop3A_343 = vector.shape_cast %parallel_loop3A_342 : vector<16xf32> to vector<16xf32>
      %parallel_loop3A_344 = arith.index_cast %parallel_loop3A_340 : i32 to index
      %parallel_loop3A_345 = tpu.vector_load %arg6[%parallel_loop3A_344] {strides = array<i32>} : memref<16384xf32, #tpu.memory_space<vmem>>, vector<16xf32>,
      %parallel_loop3A_346 = vector.shape_cast %parallel_loop3A_345 : vector<16xf32> to vector<16xf32>
      %parallel_loop3A_347 = vector.shape_cast %parallel_loop3A_343 : vector<16xf32> to vector<16xf32>
      tpu.vector_store %arg6[%parallel_loop3A_344], %parallel_loop3A_347 {add = true, strides = array<i32>} : memref<16384xf32, #tpu.memory_space<vmem>>, vector<16xf32>,
    } {sc.loop_unroll_factor = 16 : i64, sc.parallel_access}
    %add3A_255 = arith.constant 180224 : i32
    %add3A_256 = arith.addi %mul3A_2, %add3A_255 : i32
    %dma_start3A_257 = tpu.memref_slice %arg4[%add3A_256] : memref<8388608xf32, #tpu.memory_space<hbm>> -> memref<16384xf32, #tpu.memory_space<hbm>>
    %dma_start3A_258 = tpu.memref_slice %arg4[%add3A_256] : memref<8388608xf32, #tpu.memory_space<hbm>> -> memref<16384xf32, #tpu.memory_space<hbm>>
    tpu.enqueue_dma source(%arg6 : memref<16384xf32, #tpu.memory_space<vmem>>) target(%dma_start3A_258 : memref<16384xf32, #tpu.memory_space<hbm>>) target_semaphore(%arg14 : memref<!tpu.dma_semaphore, #tpu.memory_space<semaphore_mem>>)
    %dma_wait3A_259 = tpu.memref_slice %arg2[%add3A_245] : memref<8388608xf32, #tpu.memory_space<hbm>> -> memref<16384xf32, #tpu.memory_space<hbm>>
    %dma_wait3A_260 = tpu.memref_slice %arg2[%add3A_245] : memref<8388608xf32, #tpu.memory_space<hbm>> -> memref<16384xf32, #tpu.memory_space<hbm>>
    tpu.wait_dma2 semaphore(%arg9 : memref<!tpu.dma_semaphore, #tpu.memory_space<semaphore_mem>>) src(%dma_wait3A_260 : memref<16384xf32, #tpu.memory_space<hbm>>) dst(%arg5 : memref<16384xf32, #tpu.memory_space<vmem>>)
    %dma_wait3A_261 = tpu.memref_slice %arg3[%add3A_249] : memref<2097152xf32, #tpu.memory_space<hbm>> -> memref<16384xf32, #tpu.memory_space<hbm>>
    %dma_wait3A_262 = tpu.memref_slice %arg3[%add3A_249] : memref<2097152xf32, #tpu.memory_space<hbm>> -> memref<16384xf32, #tpu.memory_space<hbm>>
    tpu.wait_dma2 semaphore(%arg11 : memref<!tpu.dma_semaphore, #tpu.memory_space<semaphore_mem>>) src(%dma_wait3A_262 : memref<16384xf32, #tpu.memory_space<hbm>>) dst(%arg7 : memref<16384xf32, #tpu.memory_space<vmem>>)
    %dma_wait3A_263 = tpu.memref_slice %arg4[%add3A_256] : memref<8388608xf32, #tpu.memory_space<hbm>> -> memref<16384xf32, #tpu.memory_space<hbm>>
    %dma_wait3A_264 = tpu.memref_slice %arg4[%add3A_256] : memref<8388608xf32, #tpu.memory_space<hbm>> -> memref<16384xf32, #tpu.memory_space<hbm>>
    tpu.wait_dma2 semaphore(%arg14 : memref<!tpu.dma_semaphore, #tpu.memory_space<semaphore_mem>>) src(%arg6 : memref<16384xf32, #tpu.memory_space<vmem>>) dst(%dma_wait3A_264 : memref<16384xf32, #tpu.memory_space<hbm>>)
    %add3A_265 = arith.constant 212992 : i32
    %add3A_266 = arith.addi %mul3A_2, %add3A_265 : i32
    %dma_start3A_267 = tpu.memref_slice %arg2[%add3A_266] : memref<8388608xf32, #tpu.memory_space<hbm>> -> memref<16384xf32, #tpu.memory_space<hbm>>
    %dma_start3A_268 = tpu.memref_slice %arg2[%add3A_266] : memref<8388608xf32, #tpu.memory_space<hbm>> -> memref<16384xf32, #tpu.memory_space<hbm>>
    tpu.enqueue_dma source(%dma_start3A_268 : memref<16384xf32, #tpu.memory_space<hbm>>) target(%arg6 : memref<16384xf32, #tpu.memory_space<vmem>>) target_semaphore(%arg10 : memref<!tpu.dma_semaphore, #tpu.memory_space<semaphore_mem>>)
    %add3A_269 = arith.constant 212992 : i32
    %add3A_270 = arith.addi %rem3A_3, %add3A_269 : i32
    %dma_start3A_271 = tpu.memref_slice %arg3[%add3A_270] : memref<2097152xf32, #tpu.memory_space<hbm>> -> memref<16384xf32, #tpu.memory_space<hbm>>
    %dma_start3A_272 = tpu.memref_slice %arg3[%add3A_270] : memref<2097152xf32, #tpu.memory_space<hbm>> -> memref<16384xf32, #tpu.memory_space<hbm>>
    tpu.enqueue_dma source(%dma_start3A_272 : memref<16384xf32, #tpu.memory_space<hbm>>) target(%arg8 : memref<16384xf32, #tpu.memory_space<vmem>>) target_semaphore(%arg12 : memref<!tpu.dma_semaphore, #tpu.memory_space<semaphore_mem>>)
    %parallel_loop3A_273 = arith.constant 0 : i32
    %parallel_loop3A_274 = arith.constant 1024 : i32
    %parallel_loop3A_275 = arith.constant 1 : i32
    scf.for %parallel_loop3A_337 = %parallel_loop3A_273 to %parallel_loop3A_274 step %parallel_loop3A_275  : i32 {
      %parallel_loop3A_338 = arith.constant 4 : i32
      %parallel_loop3A_339 = arith.shli %parallel_loop3A_337, %parallel_loop3A_338 : i32
      %parallel_loop3A_340 = tpu.assume_multiple %parallel_loop3A_339, 16 : i32
      %parallel_loop3A_341 = arith.index_cast %parallel_loop3A_340 : i32 to index
      %parallel_loop3A_342 = tpu.vector_load %arg7[%parallel_loop3A_341] {strides = array<i32>} : memref<16384xf32, #tpu.memory_space<vmem>>, vector<16xf32>,
      %parallel_loop3A_343 = vector.shape_cast %parallel_loop3A_342 : vector<16xf32> to vector<16xf32>
      %parallel_loop3A_344 = arith.index_cast %parallel_loop3A_340 : i32 to index
      %parallel_loop3A_345 = tpu.vector_load %arg5[%parallel_loop3A_344] {strides = array<i32>} : memref<16384xf32, #tpu.memory_space<vmem>>, vector<16xf32>,
      %parallel_loop3A_346 = vector.shape_cast %parallel_loop3A_345 : vector<16xf32> to vector<16xf32>
      %parallel_loop3A_347 = vector.shape_cast %parallel_loop3A_343 : vector<16xf32> to vector<16xf32>
      tpu.vector_store %arg5[%parallel_loop3A_344], %parallel_loop3A_347 {add = true, strides = array<i32>} : memref<16384xf32, #tpu.memory_space<vmem>>, vector<16xf32>,
    } {sc.loop_unroll_factor = 16 : i64, sc.parallel_access}
    %add3A_276 = arith.constant 196608 : i32
    %add3A_277 = arith.addi %mul3A_2, %add3A_276 : i32
    %dma_start3A_278 = tpu.memref_slice %arg4[%add3A_277] : memref<8388608xf32, #tpu.memory_space<hbm>> -> memref<16384xf32, #tpu.memory_space<hbm>>
    %dma_start3A_279 = tpu.memref_slice %arg4[%add3A_277] : memref<8388608xf32, #tpu.memory_space<hbm>> -> memref<16384xf32, #tpu.memory_space<hbm>>
    tpu.enqueue_dma source(%arg5 : memref<16384xf32, #tpu.memory_space<vmem>>) target(%dma_start3A_279 : memref<16384xf32, #tpu.memory_space<hbm>>) target_semaphore(%arg13 : memref<!tpu.dma_semaphore, #tpu.memory_space<semaphore_mem>>)
    %dma_wait3A_280 = tpu.memref_slice %arg2[%add3A_266] : memref<8388608xf32, #tpu.memory_space<hbm>> -> memref<16384xf32, #tpu.memory_space<hbm>>
    %dma_wait3A_281 = tpu.memref_slice %arg2[%add3A_266] : memref<8388608xf32, #tpu.memory_space<hbm>> -> memref<16384xf32, #tpu.memory_space<hbm>>
    tpu.wait_dma2 semaphore(%arg10 : memref<!tpu.dma_semaphore, #tpu.memory_space<semaphore_mem>>) src(%dma_wait3A_281 : memref<16384xf32, #tpu.memory_space<hbm>>) dst(%arg6 : memref<16384xf32, #tpu.memory_space<vmem>>)
    %dma_wait3A_282 = tpu.memref_slice %arg3[%add3A_270] : memref<2097152xf32, #tpu.memory_space<hbm>> -> memref<16384xf32, #tpu.memory_space<hbm>>
    %dma_wait3A_283 = tpu.memref_slice %arg3[%add3A_270] : memref<2097152xf32, #tpu.memory_space<hbm>> -> memref<16384xf32, #tpu.memory_space<hbm>>
    tpu.wait_dma2 semaphore(%arg12 : memref<!tpu.dma_semaphore, #tpu.memory_space<semaphore_mem>>) src(%dma_wait3A_283 : memref<16384xf32, #tpu.memory_space<hbm>>) dst(%arg8 : memref<16384xf32, #tpu.memory_space<vmem>>)
    %dma_wait3A_284 = tpu.memref_slice %arg4[%add3A_277] : memref<8388608xf32, #tpu.memory_space<hbm>> -> memref<16384xf32, #tpu.memory_space<hbm>>
    %dma_wait3A_285 = tpu.memref_slice %arg4[%add3A_277] : memref<8388608xf32, #tpu.memory_space<hbm>> -> memref<16384xf32, #tpu.memory_space<hbm>>
    tpu.wait_dma2 semaphore(%arg13 : memref<!tpu.dma_semaphore, #tpu.memory_space<semaphore_mem>>) src(%arg5 : memref<16384xf32, #tpu.memory_space<vmem>>) dst(%dma_wait3A_285 : memref<16384xf32, #tpu.memory_space<hbm>>)
    %add3A_286 = arith.constant 229376 : i32
    %add3A_287 = arith.addi %mul3A_2, %add3A_286 : i32
    %dma_start3A_288 = tpu.memref_slice %arg2[%add3A_287] : memref<8388608xf32, #tpu.memory_space<hbm>> -> memref<16384xf32, #tpu.memory_space<hbm>>
    %dma_start3A_289 = tpu.memref_slice %arg2[%add3A_287] : memref<8388608xf32, #tpu.memory_space<hbm>> -> memref<16384xf32, #tpu.memory_space<hbm>>
    tpu.enqueue_dma source(%dma_start3A_289 : memref<16384xf32, #tpu.memory_space<hbm>>) target(%arg5 : memref<16384xf32, #tpu.memory_space<vmem>>) target_semaphore(%arg9 : memref<!tpu.dma_semaphore, #tpu.memory_space<semaphore_mem>>)
    %add3A_290 = arith.constant 229376 : i32
    %add3A_291 = arith.addi %rem3A_3, %add3A_290 : i32
    %dma_start3A_292 = tpu.memref_slice %arg3[%add3A_291] : memref<2097152xf32, #tpu.memory_space<hbm>> -> memref<16384xf32, #tpu.memory_space<hbm>>
    %dma_start3A_293 = tpu.memref_slice %arg3[%add3A_291] : memref<2097152xf32, #tpu.memory_space<hbm>> -> memref<16384xf32, #tpu.memory_space<hbm>>
    tpu.enqueue_dma source(%dma_start3A_293 : memref<16384xf32, #tpu.memory_space<hbm>>) target(%arg7 : memref<16384xf32, #tpu.memory_space<vmem>>) target_semaphore(%arg11 : memref<!tpu.dma_semaphore, #tpu.memory_space<semaphore_mem>>)
    %parallel_loop3A_294 = arith.constant 0 : i32
    %parallel_loop3A_295 = arith.constant 1024 : i32
    %parallel_loop3A_296 = arith.constant 1 : i32
    scf.for %parallel_loop3A_337 = %parallel_loop3A_294 to %parallel_loop3A_295 step %parallel_loop3A_296  : i32 {
      %parallel_loop3A_338 = arith.constant 4 : i32
      %parallel_loop3A_339 = arith.shli %parallel_loop3A_337, %parallel_loop3A_338 : i32
      %parallel_loop3A_340 = tpu.assume_multiple %parallel_loop3A_339, 16 : i32
      %parallel_loop3A_341 = arith.index_cast %parallel_loop3A_340 : i32 to index
      %parallel_loop3A_342 = tpu.vector_load %arg8[%parallel_loop3A_341] {strides = array<i32>} : memref<16384xf32, #tpu.memory_space<vmem>>, vector<16xf32>,
      %parallel_loop3A_343 = vector.shape_cast %parallel_loop3A_342 : vector<16xf32> to vector<16xf32>
      %parallel_loop3A_344 = arith.index_cast %parallel_loop3A_340 : i32 to index
      %parallel_loop3A_345 = tpu.vector_load %arg6[%parallel_loop3A_344] {strides = array<i32>} : memref<16384xf32, #tpu.memory_space<vmem>>, vector<16xf32>,
      %parallel_loop3A_346 = vector.shape_cast %parallel_loop3A_345 : vector<16xf32> to vector<16xf32>
      %parallel_loop3A_347 = vector.shape_cast %parallel_loop3A_343 : vector<16xf32> to vector<16xf32>
      tpu.vector_store %arg6[%parallel_loop3A_344], %parallel_loop3A_347 {add = true, strides = array<i32>} : memref<16384xf32, #tpu.memory_space<vmem>>, vector<16xf32>,
    } {sc.loop_unroll_factor = 16 : i64, sc.parallel_access}
    %add3A_297 = arith.constant 212992 : i32
    %add3A_298 = arith.addi %mul3A_2, %add3A_297 : i32
    %dma_start3A_299 = tpu.memref_slice %arg4[%add3A_298] : memref<8388608xf32, #tpu.memory_space<hbm>> -> memref<16384xf32, #tpu.memory_space<hbm>>
    %dma_start3A_300 = tpu.memref_slice %arg4[%add3A_298] : memref<8388608xf32, #tpu.memory_space<hbm>> -> memref<16384xf32, #tpu.memory_space<hbm>>
    tpu.enqueue_dma source(%arg6 : memref<16384xf32, #tpu.memory_space<vmem>>) target(%dma_start3A_300 : memref<16384xf32, #tpu.memory_space<hbm>>) target_semaphore(%arg14 : memref<!tpu.dma_semaphore, #tpu.memory_space<semaphore_mem>>)
    %dma_wait3A_301 = tpu.memref_slice %arg2[%add3A_287] : memref<8388608xf32, #tpu.memory_space<hbm>> -> memref<16384xf32, #tpu.memory_space<hbm>>
    %dma_wait3A_302 = tpu.memref_slice %arg2[%add3A_287] : memref<8388608xf32, #tpu.memory_space<hbm>> -> memref<16384xf32, #tpu.memory_space<hbm>>
    tpu.wait_dma2 semaphore(%arg9 : memref<!tpu.dma_semaphore, #tpu.memory_space<semaphore_mem>>) src(%dma_wait3A_302 : memref<16384xf32, #tpu.memory_space<hbm>>) dst(%arg5 : memref<16384xf32, #tpu.memory_space<vmem>>)
    %dma_wait3A_303 = tpu.memref_slice %arg3[%add3A_291] : memref<2097152xf32, #tpu.memory_space<hbm>> -> memref<16384xf32, #tpu.memory_space<hbm>>
    %dma_wait3A_304 = tpu.memref_slice %arg3[%add3A_291] : memref<2097152xf32, #tpu.memory_space<hbm>> -> memref<16384xf32, #tpu.memory_space<hbm>>
    tpu.wait_dma2 semaphore(%arg11 : memref<!tpu.dma_semaphore, #tpu.memory_space<semaphore_mem>>) src(%dma_wait3A_304 : memref<16384xf32, #tpu.memory_space<hbm>>) dst(%arg7 : memref<16384xf32, #tpu.memory_space<vmem>>)
    %dma_wait3A_305 = tpu.memref_slice %arg4[%add3A_298] : memref<8388608xf32, #tpu.memory_space<hbm>> -> memref<16384xf32, #tpu.memory_space<hbm>>
    %dma_wait3A_306 = tpu.memref_slice %arg4[%add3A_298] : memref<8388608xf32, #tpu.memory_space<hbm>> -> memref<16384xf32, #tpu.memory_space<hbm>>
    tpu.wait_dma2 semaphore(%arg14 : memref<!tpu.dma_semaphore, #tpu.memory_space<semaphore_mem>>) src(%arg6 : memref<16384xf32, #tpu.memory_space<vmem>>) dst(%dma_wait3A_306 : memref<16384xf32, #tpu.memory_space<hbm>>)
    %add3A_307 = arith.constant 245760 : i32
    %add3A_308 = arith.addi %mul3A_2, %add3A_307 : i32
    %dma_start3A_309 = tpu.memref_slice %arg2[%add3A_308] : memref<8388608xf32, #tpu.memory_space<hbm>> -> memref<16384xf32, #tpu.memory_space<hbm>>
    %dma_start3A_310 = tpu.memref_slice %arg2[%add3A_308] : memref<8388608xf32, #tpu.memory_space<hbm>> -> memref<16384xf32, #tpu.memory_space<hbm>>
    tpu.enqueue_dma source(%dma_start3A_310 : memref<16384xf32, #tpu.memory_space<hbm>>) target(%arg6 : memref<16384xf32, #tpu.memory_space<vmem>>) target_semaphore(%arg10 : memref<!tpu.dma_semaphore, #tpu.memory_space<semaphore_mem>>)
    %add3A_311 = arith.constant 245760 : i32
    %add3A_312 = arith.addi %rem3A_3, %add3A_311 : i32
    %dma_start3A_313 = tpu.memref_slice %arg3[%add3A_312] : memref<2097152xf32, #tpu.memory_space<hbm>> -> memref<16384xf32, #tpu.memory_space<hbm>>
    %dma_start3A_314 = tpu.memref_slice %arg3[%add3A_312] : memref<2097152xf32, #tpu.memory_space<hbm>> -> memref<16384xf32, #tpu.memory_space<hbm>>
    tpu.enqueue_dma source(%dma_start3A_314 : memref<16384xf32, #tpu.memory_space<hbm>>) target(%arg8 : memref<16384xf32, #tpu.memory_space<vmem>>) target_semaphore(%arg12 : memref<!tpu.dma_semaphore, #tpu.memory_space<semaphore_mem>>)
    %parallel_loop3A_315 = arith.constant 0 : i32
    %parallel_loop3A_316 = arith.constant 1024 : i32
    %parallel_loop3A_317 = arith.constant 1 : i32
    scf.for %parallel_loop3A_337 = %parallel_loop3A_315 to %parallel_loop3A_316 step %parallel_loop3A_317  : i32 {
      %parallel_loop3A_338 = arith.constant 4 : i32
      %parallel_loop3A_339 = arith.shli %parallel_loop3A_337, %parallel_loop3A_338 : i32
      %parallel_loop3A_340 = tpu.assume_multiple %parallel_loop3A_339, 16 : i32
      %parallel_loop3A_341 = arith.index_cast %parallel_loop3A_340 : i32 to index
      %parallel_loop3A_342 = tpu.vector_load %arg7[%parallel_loop3A_341] {strides = array<i32>} : memref<16384xf32, #tpu.memory_space<vmem>>, vector<16xf32>,
      %parallel_loop3A_343 = vector.shape_cast %parallel_loop3A_342 : vector<16xf32> to vector<16xf32>
      %parallel_loop3A_344 = arith.index_cast %parallel_loop3A_340 : i32 to index
      %parallel_loop3A_345 = tpu.vector_load %arg5[%parallel_loop3A_344] {strides = array<i32>} : memref<16384xf32, #tpu.memory_space<vmem>>, vector<16xf32>,
      %parallel_loop3A_346 = vector.shape_cast %parallel_loop3A_345 : vector<16xf32> to vector<16xf32>
      %parallel_loop3A_347 = vector.shape_cast %parallel_loop3A_343 : vector<16xf32> to vector<16xf32>
      tpu.vector_store %arg5[%parallel_loop3A_344], %parallel_loop3A_347 {add = true, strides = array<i32>} : memref<16384xf32, #tpu.memory_space<vmem>>, vector<16xf32>,
    } {sc.loop_unroll_factor = 16 : i64, sc.parallel_access}
    %add3A_318 = arith.constant 229376 : i32
    %add3A_319 = arith.addi %mul3A_2, %add3A_318 : i32
    %dma_start3A_320 = tpu.memref_slice %arg4[%add3A_319] : memref<8388608xf32, #tpu.memory_space<hbm>> -> memref<16384xf32, #tpu.memory_space<hbm>>
    %dma_start3A_321 = tpu.memref_slice %arg4[%add3A_319] : memref<8388608xf32, #tpu.memory_space<hbm>> -> memref<16384xf32, #tpu.memory_space<hbm>>
    tpu.enqueue_dma source(%arg5 : memref<16384xf32, #tpu.memory_space<vmem>>) target(%dma_start3A_321 : memref<16384xf32, #tpu.memory_space<hbm>>) target_semaphore(%arg13 : memref<!tpu.dma_semaphore, #tpu.memory_space<semaphore_mem>>)
    %dma_wait3A_322 = tpu.memref_slice %arg2[%add3A_308] : memref<8388608xf32, #tpu.memory_space<hbm>> -> memref<16384xf32, #tpu.memory_space<hbm>>
    %dma_wait3A_323 = tpu.memref_slice %arg2[%add3A_308] : memref<8388608xf32, #tpu.memory_space<hbm>> -> memref<16384xf32, #tpu.memory_space<hbm>>
    tpu.wait_dma2 semaphore(%arg10 : memref<!tpu.dma_semaphore, #tpu.memory_space<semaphore_mem>>) src(%dma_wait3A_323 : memref<16384xf32, #tpu.memory_space<hbm>>) dst(%arg6 : memref<16384xf32, #tpu.memory_space<vmem>>)
    %dma_wait3A_324 = tpu.memref_slice %arg3[%add3A_312] : memref<2097152xf32, #tpu.memory_space<hbm>> -> memref<16384xf32, #tpu.memory_space<hbm>>
    %dma_wait3A_325 = tpu.memref_slice %arg3[%add3A_312] : memref<2097152xf32, #tpu.memory_space<hbm>> -> memref<16384xf32, #tpu.memory_space<hbm>>
    tpu.wait_dma2 semaphore(%arg12 : memref<!tpu.dma_semaphore, #tpu.memory_space<semaphore_mem>>) src(%dma_wait3A_325 : memref<16384xf32, #tpu.memory_space<hbm>>) dst(%arg8 : memref<16384xf32, #tpu.memory_space<vmem>>)
    %dma_wait3A_326 = tpu.memref_slice %arg4[%add3A_319] : memref<8388608xf32, #tpu.memory_space<hbm>> -> memref<16384xf32, #tpu.memory_space<hbm>>
    %dma_wait3A_327 = tpu.memref_slice %arg4[%add3A_319] : memref<8388608xf32, #tpu.memory_space<hbm>> -> memref<16384xf32, #tpu.memory_space<hbm>>
    tpu.wait_dma2 semaphore(%arg13 : memref<!tpu.dma_semaphore, #tpu.memory_space<semaphore_mem>>) src(%arg5 : memref<16384xf32, #tpu.memory_space<vmem>>) dst(%dma_wait3A_327 : memref<16384xf32, #tpu.memory_space<hbm>>)
    %parallel_loop3A_328 = arith.constant 0 : i32
    %parallel_loop3A_329 = arith.constant 1024 : i32
    %parallel_loop3A_330 = arith.constant 1 : i32
    scf.for %parallel_loop3A_337 = %parallel_loop3A_328 to %parallel_loop3A_329 step %parallel_loop3A_330  : i32 {
      %parallel_loop3A_338 = arith.constant 4 : i32
      %parallel_loop3A_339 = arith.shli %parallel_loop3A_337, %parallel_loop3A_338 : i32
      %parallel_loop3A_340 = tpu.assume_multiple %parallel_loop3A_339, 16 : i32
      %parallel_loop3A_341 = arith.index_cast %parallel_loop3A_340 : i32 to index
      %parallel_loop3A_342 = tpu.vector_load %arg8[%parallel_loop3A_341] {strides = array<i32>} : memref<16384xf32, #tpu.memory_space<vmem>>, vector<16xf32>,
      %parallel_loop3A_343 = vector.shape_cast %parallel_loop3A_342 : vector<16xf32> to vector<16xf32>
      %parallel_loop3A_344 = arith.index_cast %parallel_loop3A_340 : i32 to index
      %parallel_loop3A_345 = tpu.vector_load %arg6[%parallel_loop3A_344] {strides = array<i32>} : memref<16384xf32, #tpu.memory_space<vmem>>, vector<16xf32>,
      %parallel_loop3A_346 = vector.shape_cast %parallel_loop3A_345 : vector<16xf32> to vector<16xf32>
      %parallel_loop3A_347 = vector.shape_cast %parallel_loop3A_343 : vector<16xf32> to vector<16xf32>
      tpu.vector_store %arg6[%parallel_loop3A_344], %parallel_loop3A_347 {add = true, strides = array<i32>} : memref<16384xf32, #tpu.memory_space<vmem>>, vector<16xf32>,
    } {sc.loop_unroll_factor = 16 : i64, sc.parallel_access}
    %add3A_331 = arith.constant 245760 : i32
    %add3A_332 = arith.addi %mul3A_2, %add3A_331 : i32
    %dma_start3A_333 = tpu.memref_slice %arg4[%add3A_332] : memref<8388608xf32, #tpu.memory_space<hbm>> -> memref<16384xf32, #tpu.memory_space<hbm>>
    %dma_start3A_334 = tpu.memref_slice %arg4[%add3A_332] : memref<8388608xf32, #tpu.memory_space<hbm>> -> memref<16384xf32, #tpu.memory_space<hbm>>
    tpu.enqueue_dma source(%arg6 : memref<16384xf32, #tpu.memory_space<vmem>>) target(%dma_start3A_334 : memref<16384xf32, #tpu.memory_space<hbm>>) target_semaphore(%arg14 : memref<!tpu.dma_semaphore, #tpu.memory_space<semaphore_mem>>)
    %dma_wait3A_335 = tpu.memref_slice %arg4[%add3A_332] : memref<8388608xf32, #tpu.memory_space<hbm>> -> memref<16384xf32, #tpu.memory_space<hbm>>
    %dma_wait3A_336 = tpu.memref_slice %arg4[%add3A_332] : memref<8388608xf32, #tpu.memory_space<hbm>> -> memref<16384xf32, #tpu.memory_space<hbm>>
    tpu.wait_dma2 semaphore(%arg14 : memref<!tpu.dma_semaphore, #tpu.memory_space<semaphore_mem>>) src(%arg6 : memref<16384xf32, #tpu.memory_space<vmem>>) dst(%dma_wait3A_336 : memref<16384xf32, #tpu.memory_space<hbm>>)
    return
  }
}

</mosaic_0001>

<sc_bundles>
// kernel: kernel.3.cloned.1.call-start
scs
__scs_entry_jumppad:
0x0: {  	(pc) =	sbr.rel $0x88, $3  }
0x1: {  	(tag) =	ssettag $0x0;
	lr =	simm.s32 $0x1  }
0x2: {  	[smem:$0x3F9F] =	sst lr;
	_ =	strace $0xD0000000  }
0x3: {  	_ = 	snop  }
0x4: {  	_ = 	snop  }
0x5: {  	_ = 	snop  }
0x6: {  	_ = 	snop  }
0x7: {  	_ = 	snop  }
__scs_overlays_trampoline_lowered:
0x8: {  	[smem:$0x3FAE] =	sst s0  }
0x9: {  	[smem:$0x3FAF] =	sst s1  }
0xa: {  	[smem:$0x3FB0] =	sst s2  }
0xb: {  	[smem:$0x3FB1] =	sst s3  }
0xc: {  	[smem:$0x3FB2] =	sst s4  }
0xd: {  	[smem:$0x3FB3] =	sst s5  }
0xe: {  	[smem:$0x3FB4] =	sst s6  }
0xf: {  	[smem:$0x3FB5] =	sst s7  }
0x10: {  	[smem:$0x3FB6] =	sst s8  }
0x11: {  	[smem:$0x3FB7] =	sst s9;
	s0 =	simm.s32 @!p0 $0x0  }
0x12: {  	s1 =	sld [smem:$0x3F9D];
	s0 =	simm.s32 @p0 $0x1  }
0x13: {  	[smem:$0x3FB8] =	sst s0;
	s0 =	simm.s32 @!p1 $0x0  }
0x14: {  	s2 =	sld [smem:$0x3F9C];
	s0 =	simm.s32 @p1 $0x1  }
0x15: {  	[smem:$0x3FB9] =	sst s0;
	s0 =	simm.s32 @!p2 $0x0  }
0x16: {  	s3 =	sld [smem:$0x3FDB];
	s0 =	simm.s32 @p2 $0x1  }
0x17: {  	s4 =	simm.s32 $0x1BF5;
	[smem:$0x3FBB] =	sst s0  }
0x18: {  	s0 =	sld [smem:$0x3F9E];
	_ =	swait.ge [sflag:s4], $0x0  }
0x19: {  	s7 =	sld [smem:$0x3F9F]  }
0x1a: {  	s8 =	sadd.s32 $0xFFFFE003, lr  }
0x1b: {  	s9 =	sadd.s32 $0xFFFFFEF7, lr;
	s5 =	simm.s32 $0xFFFFFFFF;
	p2 =	slt.u32 s8, $0xFFFFF086  }
0x1c: {  	p1 =	slt.u32 s9, $0xF7A;
	s5 =	simm.s32 @!p2 $0x0  }
0x1d: {  	s5 =	simm.s32 @p1 $0x1;
	p0 =	seq.s32 s7, s2  }
0x1e: {  	s7 =	smul.u32 @!p0 $0xF7A, s2;
	p2 =	seq.s32 @!p0 s5, $0x0  }
0x1f: {  	s9 =	smul.u32 $0xF7A, s1;
	s8 =	simm.s32 @!p0 $0x1BF5;
	p2 =	por !p2, p0  }
0x20: {  	[sflag:s8] =	ssyncset.s32 @!p0 $0xFFFFF086;
	s6 =	sadd.s32 @!p0 s3, s7;
	s7 =	simm.s32 @!p0 $0x108  }
0x21: {  	s3 =	sadd.s32 s3, s9;
	s6 =	sadd.s32 @!p0 $0x88, s6;
	s7 =	simm.s32 @p2 $0x1082  }
0x22: {  	[simem:s7], [sflag:s8] =	dma.local @!p0 [hbm:s6], $0xF7A  }
0x23: {  	s9 =	sor.u32 $0xD0000000, s2;
	s6 =	simm.s32 $0x108;
	_ =	swait.ge @!p0 [sflag:s8], $0x0  }
0x24: {  	s3 =	sadd.s32 $0x88, s3;
	s6 =	simm.s32 @!p1 $0x1082;
	[sflag:s4] =	ssyncset.s32 $0xFFFFF086  }
0x25: {  	[simem:s6], [sflag:s4] =	dma.local [hbm:s3], $0xF7A  }
0x26: {  	[smem:$0x3F9F] =	sst s1;
	(tag) =	ssettag s2;
	_ =	strace s9  }
0x27: {  	s1 =	sld [smem:$0x3FAF]  }
0x28: {  	s2 =	sld [smem:$0x3FB0]  }
0x29: {  	s4 =	sld [smem:$0x3FB2]  }
0x2a: {  	p0 =	seq.s32 s5, $0x0;
	s5 =	sld [smem:$0x3FB3]  }
0x2b: {  	s6 =	sld [smem:$0x3FB4]  }
0x2c: {  	s7 =	sld [smem:$0x3FB5]  }
0x2d: {  	s3 =	simm.s32 $0x108;
	s8 =	sld [smem:$0x3FB6]  }
0x2e: {  	s3 =	simm.s32 @!p0 $0x1082;
	s9 =	sld [smem:$0x3FB7]  }
0x2f: {  	lr =	sadd.s32 s0, s3;
	s0 =	sld [smem:$0x3FAE]  }
0x30: {  	s3 =	sld [smem:$0x3FB1]  }
0x31: {  	[smem:$0x3FBA] =	sst s10  }
0x32: {  	s10 =	sld [smem:$0x3FB8];
	_ =	sdelay $0x3  }
0x33: {  	p0 =	seq.s32 s10, $0x1;
	s10 =	sld [smem:$0x3FBA];
	_ =	sdelay $0x3  }
0x34: {  	[smem:$0x3FBA] =	sst s10  }
0x35: {  	s10 =	sld [smem:$0x3FB9];
	_ =	sdelay $0x3  }
0x36: {  	p1 =	seq.s32 s10, $0x1;
	s10 =	sld [smem:$0x3FBA];
	_ =	sdelay $0x3  }
0x37: {  	[smem:$0x3FBA] =	sst s10  }
0x38: {  	s10 =	sld [smem:$0x3FBB]  }
0x39: {  	_ = 	snop;
	(pc) =	sbr.ind lr, $3  }
0x3a: {  	_ = 	snop  }
0x3b: {  	_ = 	snop  }
0x3c: {  	p2 =	seq.s32 s10, $0x1;
	s10 =	sld [smem:$0x3FBA]  }
0x3d: {  	_ =	shalt  }
0x3e: {  	_ =	shalt  }
0x3f: {  	_ =	shalt  }
0x40: {  	_ =	shalt  }
0x41: {  	_ =	shalt  }
0x42: {  	_ =	shalt  }
0x43: {  	_ =	shalt  }
0x44: {  	_ =	shalt  }
0x45: {  	_ =	shalt  }
0x46: {  	_ =	shalt  }
0x47: {  	_ =	shalt  }
0x48: {  	_ =	shalt  }
0x49: {  	_ =	shalt  }
0x4a: {  	_ =	shalt  }
0x4b: {  	_ =	shalt  }
0x4c: {  	_ =	shalt  }
0x4d: {  	_ =	shalt  }
0x4e: {  	_ =	shalt  }
0x4f: {  	_ =	shalt  }
0x50: {  	_ =	shalt  }
0x51: {  	_ =	shalt  }
0x52: {  	_ =	shalt  }
0x53: {  	_ =	shalt  }
0x54: {  	_ =	shalt  }
0x55: {  	_ =	shalt  }
0x56: {  	_ =	shalt  }
0x57: {  	_ =	shalt  }
0x58: {  	_ =	shalt  }
0x59: {  	_ =	shalt  }
0x5a: {  	_ =	shalt  }
0x5b: {  	_ =	shalt  }
0x5c: {  	_ =	shalt  }
0x5d: {  	_ =	shalt  }
0x5e: {  	_ =	shalt  }
0x5f: {  	_ =	shalt  }
0x60: {  	_ =	shalt  }
0x61: {  	_ =	shalt  }
0x62: {  	_ =	shalt  }
0x63: {  	_ =	shalt  }
0x64: {  	_ =	shalt  }
0x65: {  	_ =	shalt  }
0x66: {  	_ =	shalt  }
0x67: {  	_ =	shalt  }
0x68: {  	_ =	shalt  }
0x69: {  	_ =	shalt  }
0x6a: {  	_ =	shalt  }
0x6b: {  	_ =	shalt  }
0x6c: {  	_ =	shalt  }
0x6d: {  	_ =	shalt  }
0x6e: {  	_ =	shalt  }
0x6f: {  	_ =	shalt  }
0x70: {  	_ =	shalt  }
0x71: {  	_ =	shalt  }
0x72: {  	_ =	shalt  }
0x73: {  	_ =	shalt  }
0x74: {  	_ =	shalt  }
0x75: {  	_ =	shalt  }
0x76: {  	_ =	shalt  }
0x77: {  	_ =	shalt  }
0x78: {  	_ =	shalt  }
0x79: {  	_ =	shalt  }
0x7a: {  	_ =	shalt  }
0x7b: {  	_ =	shalt  }
0x7c: {  	_ =	shalt  }
0x7d: {  	_ =	shalt  }
0x7e: {  	_ =	shalt  }
0x7f: {  	_ =	shalt  }
0x80: {  	_ =	shalt  }
0x81: {  	_ =	shalt  }
0x82: {  	_ =	shalt  }
0x83: {  	_ =	shalt  }
0x84: {  	_ =	shalt  }
0x85: {  	_ =	shalt  }
0x86: {  	_ =	shalt  }
0x87: {  	_ =	shalt  }
.Lfunc_end0:
.L_simem_size_0:
called_computation.1_lowered:
.L_overlay_start_0:
0x88: {  	s2 =	sld [smem:$0x3FD9]  }
0x89: {  	s3 =	sld [smem:$0x3FFE];
	_ =	sdelay $0x1  }
0x8a: {  	s1 =	srdreg.scid  }
0x8b: {  	s0 =	sand.u32 $0x1, s1  }
0x8c: {  	s17 =	sshll.u32 s0, $0xA;
	s2 =	sadd.s32 s3, s2  }
0x8d: {  	s2 =	sadd.s32 s2, s17  }
0x8e: {  	[smem:$0x3FC6] =	sst s2  }
0x8f: {  	_ = 	snop  }
0x90: {  	s2 =	sld [smem:$0x3FD0];
	(tm) =	ssettm $0x1  }
0x91: {  	s18 =	sld [smem:$0x3FFB];
	_ =	sdelay $0x3  }
0x92: {  	_ =	strace s18  }
0x93: {  	s3 =	sld [smem:$0x3FFC];
	_ =	sdelay $0x3  }
0x94: {  	_ =	strace s3  }
0x95: {  	s3 =	sld [smem:$0x3FFD];
	_ =	sdelay $0x3  }
0x96: {  	_ =	strace s3  }
0x97: {  	_ =	strace $0x8FFFFFFF  }
0x98: {  	s19 =	sld [smem:$0x3FDB];
	_ =	sdelay $0x1  }
0x99: {  	s4 =	simm.s32 $_scs_section_size  }
0x9a: {  	s5 =	simm.s32 $_size__tile_overlayer_lowered;
	s6 =	simm.s32 $_tile_overlayer_lowered  }
0x9b: {  	s22 =	simm.s32 $0x1BFF;
	s21 =	sshll.u32 s6, $0x1;
	s3 =	sadd.s32 s4, s19  }
0x9c: {  	s7 =	simm.s32 $0x0;
	s20 =	sshll.u32 s5, $0x1;
	s5 =	sadd.s32 s21, s3  }
0x9d: {  	[timem:s7], [sflag:s22] =	dma.local [hbm:s5], s20  }
0x9e: {  	_ =	swait.ge [sflag:s22], s20  }
0x9f: {  	s4 =	ssub.s32 $0x0, s20;
	[sflag:s22] =	ssyncset.done $0x0  }
0xa0: {  	[sflag:s22] =	ssyncadd.s32 s4;
	_ =	sdelay $0x1  }
0xa1: {  	s23 =	simm.s32 $0x1B8B  }
0xa2: {  	_ =	swait.ge [sflag:s23], $0x1  }
0xa3: {  	[sflag:s23] =	ssyncset.done $0x0  }
0xa4: {  	s25 =	simm.s32 $0x1B8E;
	s24 =	sld [smem:$0x3FFE];
	[sflag:s23] =	ssyncadd.s32 $0xFFFFFFFF  }
0xa5: {  	s26 =	simm.s32 $execute0_lowered;
	[smem:$0x3FD2] =	sst s25  }
0xa6: {  	s5 =	sshll.u32 s26, $0x1;
	_ =	strace $0x80000049;
	[dreg:$0x1] =	wrdreg $0xFFFFFFFF  }
0xa7: {  	s28 =	simm.s32 $_size_execute0_lowered;
	s3 =	sadd.s32 s3, s5;
	[dreg:$0x0] =	wrdreg $0x0  }
0xa8: {  	s5 =	sshll.u32 s28, $0x1;
	[dreg:$0x2] =	wrdreg s3  }
0xa9: {  	[dreg:$0x3] =	wrdreg s5  }
0xaa: {  	[dreg:$0x4] =	wrdreg $0xC0  }
0xab: {  	_ =	task [dreg:s7], $0x5FFFF  }
0xac: {  	[dreg:$0x1] =	wrdreg $0xFFFFFFFF  }
0xad: {  	[dreg:$0x0] =	wrdreg $0x60  }
0xae: {  	[dreg:$0x2] =	wrdreg s2  }
0xaf: {  	[dreg:$0x3] =	wrdreg s24  }
0xb0: {  	[dreg:$0x4] =	wrdreg $0x9  }
0xb1: {  	_ =	task.clear_ibuf [dreg:s7], $0x5FFFF;
	_ =	strace $0x90000049  }
0xb2: {  	s29 =	simm.s32 $0x9;
	_ =	strace $0x8000004B  }
0xb3: {  	_ =	swait.ge [sflag:s29], $0x1  }
0xb4: {  	[sflag:s29] =	ssyncadd.s32 $0xFFFFFFFF  }
0xb5: {  	_ =	strace $0x9000004B  }
0xb6: {  	_ =	sfence  }
0xb7: {  	s30 =	sld [smem:$0x0];
	_ =	sdelay $0x2  }
0xb8: {  	s31 =	sshll.u32 s1, $0xD;
	s1 =	sshrl.u32 s1, $0x2  }
0xb9: {  	s3 =	sand.u32 $0x4000, s31;
	s1 =	sadd.s32 s1, s30  }
0xba: {  	s0 =	sor.u32 s3, s0;
	s1 =	sshll.u32 s1, $0x11  }
0xbb: {  	s0 =	sor.u32 s1, s0  }
0xbc: {  	s0 =	sadd.s32 $0x8F2B, s0  }
0xbd: {  	[sflag:s0] =	ssyncadd.remote.s32 $0x1  }
0xbe: {  	_ =	sfence.sel $0xFFFF  }
0xbf: {  	[dreg:$0x0] =	wrdreg $0xFFFFFFFF;
	(pc) =	sbr.abs _section_cstart, $3  }
0xc0: {  	[dreg:$0x1] =	wrdreg $0xFFFFFFFF  }
0xc1: {  	_ =	task.clear_ibuf [dreg:s7], $0x2FFFF;
	_ =	strace $0x9FFFFFFF  }
0xc2: {  	(tm) =	ssettm $0x7FFFFFFF  }
0xc3: {  	_ =	shalt  }
tec
execute0_lowered:
.L_overlay_start_1:
0x0: {  	(tag) =	ssettag $0x1  }
0x1: {  	s0 =	srdreg.scid  }
0x2: {  	s1 =	stileid.u32;
	s3 =	rddreg [dreg:$0x0]  }
0x3: {  	s4 =	rddreg [dreg:$0x1];
	s28 =	simm.s32 $0x4;
	s0 =	sand.u32 $0x1, s0  }
0x4: {  	s30 =	simm.s32 $0x5;
	s1 =	sshll.u32 s1, $0x10;
	s2 =	sshll.u32 s0, $0xF  }
0x5: {  	s31 =	simm.s32 $0x6;
	s6 =	ssub.s32 $0x2, s0;
	s5 =	sor.u32 s2, s1  }
0x6: {  	s1 =	simm.s32 $0x0;
	s14 =	sshrl.u32 s6, $0x1;
	s2 =	sand.u32 $0x38000, s5  }
0x7: {  	[smem:$0x7FF] =	sst s1;
	s15 =	sor.u32 $0x800, s5;
	s16 =	sor.u32 $0x1000, s5  }
0x8: {  	s8 =	sor.u32 $0x1800, s5;
	s19 =	sor.u32 $0x2000, s5;
	s7 =	sadd.s32 s3, s15  }
0x9: {  	s20 =	sor.u32 $0x2800, s5;
	s9 =	sadd.s32 s3, s16;
	[dreg:$0x3] =	wrdreg s7  }
0xa: {  	s23 =	sor.u32 $0x3000, s5;
	s17 =	sadd.s32 s3, s8;
	[dreg:$0x4] =	wrdreg s9  }
0xb: {  	s24 =	sor.u32 $0x3800, s5;
	s21 =	sadd.s32 s3, s19;
	[dreg:$0x6] =	wrdreg s17  }
0xc: {  	s10 =	sor.u32 $0x4800, s5;
	s22 =	sadd.s32 s3, s20;
	[dreg:$0x8] =	wrdreg s21  }
0xd: {  	s13 =	sor.u32 $0x5000, s5;
	s25 =	sadd.s32 s3, s23;
	[dreg:$0xa] =	wrdreg s22  }
0xe: {  	s0 =	sadd.s32 s2, s4;
	s26 =	sadd.s32 s3, s24;
	[dreg:$0xc] =	wrdreg s25  }
0xf: {  	s4 =	sadd.s32 $0x40A00, s4;
	s12 =	sadd.s32 s3, s10;
	[dreg:$0xe] =	wrdreg s26  }
0x10: {  	s2 =	ssub.s32 s6, s14;
	s14 =	sadd.s32 s3, s13;
	[dreg:$0x12] =	wrdreg s12  }
0x11: {  	s29 =	simm.s32 $0x0;
	s6 =	sadd.s32 s4, s15;
	[dreg:$0x15] =	wrdreg s14  }
0x12: {  	s18 =	sadd.s32 s4, s16;
	s8 =	sadd.s32 s4, s8;
	[dreg:$0x5] =	wrdreg s6  }
0x13: {  	s7 =	sadd.s32 s4, s20;
	s15 =	sor.u32 $0x5800, s5;
	[dreg:$0x7] =	wrdreg s18  }
0x14: {  	s17 =	sor.u32 $0x6000, s5;
	s21 =	sadd.s32 s3, s5;
	[dreg:$0x9] =	wrdreg s8  }
0x15: {  	s22 =	sadd.s32 s4, s5;
	s9 =	sadd.s32 $0x3200, s0;
	[dreg:$0xd] =	wrdreg s7  }
0x16: {  	s12 =	sadd.s32 $0x4A00, s0;
	s14 =	sadd.s32 $0x5A00, s0;
	[dreg:$0x1d] =	wrdreg s21  }
0x17: {  	s6 =	sadd.s32 s4, s19;
	s7 =	sor.u32 $0x4000, s5;
	[dreg:$0x1e] =	wrdreg s22  }
0x18: {  	s8 =	sadd.s32 s4, s24;
	s16 =	sadd.s32 s3, s15;
	[dreg:$0xb] =	wrdreg s6  }
0x19: {  	s18 =	sadd.s32 s3, s17;
	s19 =	sor.u32 $0x6800, s5;
	[dreg:$0x11] =	wrdreg s8  }
0x1a: {  	s21 =	simm.s32 $0x8000;
	s22 =	simm.s32 $0x1;
	[dreg:$0x17] =	wrdreg s16  }
0x1b: {  	s6 =	sadd.s32 s4, s23;
	s11 =	sadd.s32 s3, s7;
	[dreg:$0x19] =	wrdreg s18  }
0x1c: {  	s20 =	sadd.s32 s3, s19;
	s23 =	sor.u32 $0x7000, s5;
	[dreg:$0xf] =	wrdreg s6  }
0x1d: {  	s5 =	sor.u32 $0x7800, s5;
	s8 =	sadd.s32 $0x2A00, s0;
	[dreg:$0x10] =	wrdreg s11  }
0x1e: {  	s16 =	sadd.s32 $0x6A00, s0;
	s6 =	sadd.s32 s4, s7;
	[dreg:$0x1b] =	wrdreg s20  }
0x1f: {  	s18 =	sadd.s32 $0x7A00, s0;
	s7 =	sadd.s32 s4, s10;
	[dreg:$0x13] =	wrdreg s6  }
0x20: {  	s24 =	sadd.s32 s3, s23;
	s3 =	sadd.s32 s3, s5;
	[dreg:$0x14] =	wrdreg s7  }
0x21: {  	s25 =	sadd.s32 s4, s23;
	s26 =	sadd.s32 s4, s5;
	[dreg:$0x1f] =	wrdreg s24  }
0x22: {  	s5 =	sadd.s32 $0x1200, s0;
	s10 =	sadd.s32 $0x3A00, s0;
	[smem:$0x7FB] =	sst s3  }
0x23: {  	s11 =	sadd.s32 $0x4200, s0;
	s20 =	smax.u32 s2, $0x1;
	[smem:$0x7FC] =	sst s25  }
0x24: {  	s23 =	simm.s32 $0x3;
	s6 =	sadd.s32 s4, s13;
	[smem:$0x7FD] =	sst s26  }
0x25: {  	s7 =	sadd.s32 $0x2200, s0;
	s13 =	sadd.s32 $0x5200, s0;
	s24 =	simm.s32 $0x4000  }
0x26: {  	s25 =	simm.s32 $0xC000;
	[dreg:$0x16] =	wrdreg s6;
	s6 =	sadd.s32 s4, s15  }
0x27: {  	s26 =	simm.s32 $0x2;
	[dreg:$0x18] =	wrdreg s6;
	s6 =	sadd.s32 s4, s17  }
0x28: {  	s15 =	sadd.s32 $0x6200, s0;
	[dreg:$0x1a] =	wrdreg s6;
	s6 =	sadd.s32 s4, s19  }
0x29: {  	s17 =	sadd.s32 $0x7200, s0;
	s4 =	sadd.s32 $0xA00, s0;
	[dreg:$0x1c] =	wrdreg s6  }
0x2a: {  	s19 =	sadd.s32 $0x8200, s0;
	s6 =	sadd.s32 $0x1A00, s0;
	_ =	strace $0x8000004A  }
.LBB2_1:
0x2b: {  	s0 =	rddreg [dreg:$0x1d]  }
0x2c: {  	[tilespmem:s1], [sflag:$0x1] =	stream.linear.gather [hbm4b:s0+s1], $0x4000, $0x38;
	[tilespmem:$0x10000] =	vst v63  }
0x2d: {  	_ = 	snop  }
0x2e: {  	[tilespmem:s21], [sflag:$0x3] =	stream.linear.gather [hbm4b:s4+s1], $0x4000, $0x38;
	[tilespmem:$0x10000] =	vst v63  }
0x2f: {  	_ =	swait.ge [sflag:s22], $0x4000  }
0x30: {  	[sflag:s22] =	ssyncset.done $0x0  }
0x31: {  	[sflag:s22] =	ssyncadd.s32 $0xFFFFC000  }
0x32: {  	_ =	swait.ge [sflag:s23], $0x4000  }
0x33: {  	[sflag:s23] =	ssyncset.done $0x0  }
0x34: {  	s3 =	rddreg [dreg:$0x3];
	[sflag:s23] =	ssyncadd.s32 $0xFFFFC000  }
0x35: {  	[tilespmem:s24], [sflag:$0x2] =	stream.linear.gather [hbm4b:s3+s1], $0x4000, $0x38;
	[tilespmem:$0x10000] =	vst v63  }
0x36: {  	s0 =	simm.s32 $0x0  }
0x37: {  	[tilespmem:s25], [sflag:$0x4] =	stream.linear.gather [hbm4b:s5+s1], $0x4000, $0x38;
	[tilespmem:$0x10000] =	vst v63  }
0x38: {  	v0 =	vld [tilespmem:s0+$0x80F0]  }
0x39: {  	v1 =	vld [tilespmem:s0+$0x8000]  }
0x3a: {  	v2 =	vld [tilespmem:s0+$0x8010]  }
0x3b: {  	v3 =	vld [tilespmem:s0+$0x8020]  }
0x3c: {  	v4 =	vld [tilespmem:s0+$0x8030]  }
0x3d: {  	v5 =	vld [tilespmem:s0+$0x8040]  }
0x3e: {  	v6 =	vld [tilespmem:s0+$0x8050]  }
0x3f: {  	v7 =	vld [tilespmem:s0+$0x8060]  }
0x40: {  	v8 =	vld [tilespmem:s0+$0x8070]  }
0x41: {  	v9 =	vld [tilespmem:s0+$0x8080]  }
0x42: {  	v10 =	vld [tilespmem:s0+$0x8090]  }
0x43: {  	v11 =	vld [tilespmem:s0+$0x80A0]  }
0x44: {  	v12 =	vld [tilespmem:s0+$0x80B0]  }
0x45: {  	v13 =	vld [tilespmem:s0+$0x80C0]  }
0x46: {  	v14 =	vld [tilespmem:s0+$0x80D0]  }
0x47: {  	[tilespmem:s0+$0xF0] =	vst.add.f32.msk $0xffff, v0  }
0x48: {  	v0 =	vld [tilespmem:s0+$0x80E0]  }
0x49: {  	[tilespmem:s0+$0x0] =	vst.add.f32.msk $0xffff, v1  }
0x4a: {  	[tilespmem:s0+$0x10] =	vst.add.f32.msk $0xffff, v2  }
0x4b: {  	[tilespmem:s0+$0x20] =	vst.add.f32.msk $0xffff, v3  }
0x4c: {  	[tilespmem:s0+$0x30] =	vst.add.f32.msk $0xffff, v4  }
0x4d: {  	[tilespmem:s0+$0x40] =	vst.add.f32.msk $0xffff, v5  }
0x4e: {  	[tilespmem:s0+$0x50] =	vst.add.f32.msk $0xffff, v6  }
0x4f: {  	[tilespmem:s0+$0x60] =	vst.add.f32.msk $0xffff, v7  }
0x50: {  	[tilespmem:s0+$0x70] =	vst.add.f32.msk $0xffff, v8  }
0x51: {  	[tilespmem:s0+$0x80] =	vst.add.f32.msk $0xffff, v9  }
0x52: {  	[tilespmem:s0+$0x90] =	vst.add.f32.msk $0xffff, v10  }
0x53: {  	[tilespmem:s0+$0xA0] =	vst.add.f32.msk $0xffff, v11  }
0x54: {  	[tilespmem:s0+$0xB0] =	vst.add.f32.msk $0xffff, v12  }
0x55: {  	[tilespmem:s0+$0xC0] =	vst.add.f32.msk $0xffff, v13  }
0x56: {  	s2 =	simm.s32 $0x0;
	s3 =	simm.s32 $0x400;
	[tilespmem:s0+$0xD0] =	vst.add.f32.msk $0xffff, v14  }
.LBB2_2:
0x57: {  	s2 =	sadd.s32 $0x10, s2;
	[tilespmem:s0+$0xE0] =	vst.add.f32.msk $0xffff, v0;
	s0 =	sshra.s32 s3, $0x2  }
0x58: {  	v0 =	vld [tilespmem:s0+$0x80F0];
	p0 =	slt.u32 s2, $0x3F0  }
0x59: {  	v1 =	vld [tilespmem:s0+$0x8000]  }
0x5a: {  	v2 =	vld [tilespmem:s0+$0x8010]  }
0x5b: {  	v3 =	vld [tilespmem:s0+$0x8020]  }
0x5c: {  	v4 =	vld [tilespmem:s0+$0x8030]  }
0x5d: {  	[tilespmem:s0+$0xF0] =	vst.add.f32.msk $0xffff, v0  }
0x5e: {  	v5 =	vld [tilespmem:s0+$0x8040]  }
0x5f: {  	v6 =	vld [tilespmem:s0+$0x8050]  }
0x60: {  	v7 =	vld [tilespmem:s0+$0x8060]  }
0x61: {  	v8 =	vld [tilespmem:s0+$0x8070]  }
0x62: {  	v9 =	vld [tilespmem:s0+$0x8080]  }
0x63: {  	v10 =	vld [tilespmem:s0+$0x8090]  }
0x64: {  	v11 =	vld [tilespmem:s0+$0x80A0]  }
0x65: {  	v12 =	vld [tilespmem:s0+$0x80B0]  }
0x66: {  	v13 =	vld [tilespmem:s0+$0x80C0]  }
0x67: {  	v14 =	vld [tilespmem:s0+$0x80D0]  }
0x68: {  	v0 =	vld [tilespmem:s0+$0x80E0]  }
0x69: {  	[tilespmem:s0+$0x0] =	vst.add.f32.msk $0xffff, v1  }
0x6a: {  	[tilespmem:s0+$0x10] =	vst.add.f32.msk $0xffff, v2  }
0x6b: {  	[tilespmem:s0+$0x20] =	vst.add.f32.msk $0xffff, v3  }
0x6c: {  	[tilespmem:s0+$0x30] =	vst.add.f32.msk $0xffff, v4  }
0x6d: {  	[tilespmem:s0+$0x40] =	vst.add.f32.msk $0xffff, v5  }
0x6e: {  	[tilespmem:s0+$0x50] =	vst.add.f32.msk $0xffff, v6  }
0x6f: {  	[tilespmem:s0+$0x60] =	vst.add.f32.msk $0xffff, v7  }
0x70: {  	[tilespmem:s0+$0x70] =	vst.add.f32.msk $0xffff, v8  }
0x71: {  	[tilespmem:s0+$0x80] =	vst.add.f32.msk $0xffff, v9  }
.Ltmp0:
0x72: {  	[tilespmem:s0+$0x90] =	vst.add.f32.msk $0xffff, v10;
	(pc) =	sbr.rel @p0 .LBB2_2-.Ltmp0, $4  }
0x73: {  	[tilespmem:s0+$0xA0] =	vst.add.f32.msk $0xffff, v11  }
0x74: {  	[tilespmem:s0+$0xB0] =	vst.add.f32.msk $0xffff, v12  }
0x75: {  	[tilespmem:s0+$0xC0] =	vst.add.f32.msk $0xffff, v13  }
0x76: {  	s3 =	sadd.s32 $0x400, s3;
	[tilespmem:s0+$0xD0] =	vst.add.f32.msk $0xffff, v14  }
0x77: {  	[tilespmem:s0+$0xE0] =	vst.add.f32.msk $0xffff, v0  }
0x78: {  	s0 =	simm.s32 $0x0;
	s2 =	rddreg [dreg:$0x1e]  }
0x79: {  	[hbm4b:s2+s0] =	stream.linear.scatter [tilespmem:s0], [sflag:$0x5], $0x4000, $0x38;
	[tilespmem:$0x10000] =	vst v63  }
0x7a: {  	_ =	swait.ge [sflag:s26], $0x4000  }
0x7b: {  	[sflag:s26] =	ssyncset.done $0x0  }
0x7c: {  	[sflag:s26] =	ssyncadd.s32 $0xFFFFC000  }
0x7d: {  	_ =	swait.ge [sflag:s28], $0x4000  }
0x7e: {  	[sflag:s28] =	ssyncset.done $0x0  }
0x7f: {  	[sflag:s28] =	ssyncadd.s32 $0xFFFFC000  }
0x80: {  	_ =	swait.ge [sflag:s30], $0x4000  }
0x81: {  	[sflag:s30] =	ssyncset.done $0x0  }
0x82: {  	s3 =	rddreg [dreg:$0x4];
	[sflag:s30] =	ssyncadd.s32 $0xFFFFC000  }
0x83: {  	[tilespmem:s0], [sflag:$0x1] =	stream.linear.gather [hbm4b:s3+s0], $0x4000, $0x38;
	[tilespmem:$0x10000] =	vst v63  }
0x84: {  	_ = 	snop  }
0x85: {  	[tilespmem:s21], [sflag:$0x3] =	stream.linear.gather [hbm4b:s6+s0], $0x4000, $0x38;
	[tilespmem:$0x10000] =	vst v63  }
0x86: {  	s0 =	simm.s32 $0x0  }
0x87: {  	v0 =	vld [tilespmem:s0+$0xC0F0]  }
0x88: {  	v1 =	vld [tilespmem:s0+$0xC000]  }
0x89: {  	v2 =	vld [tilespmem:s0+$0xC010]  }
0x8a: {  	v3 =	vld [tilespmem:s0+$0xC020]  }
0x8b: {  	v4 =	vld [tilespmem:s0+$0xC030]  }
0x8c: {  	v5 =	vld [tilespmem:s0+$0xC040]  }
0x8d: {  	v6 =	vld [tilespmem:s0+$0xC050]  }
0x8e: {  	v7 =	vld [tilespmem:s0+$0xC060]  }
0x8f: {  	v8 =	vld [tilespmem:s0+$0xC070]  }
0x90: {  	v9 =	vld [tilespmem:s0+$0xC080]  }
0x91: {  	v10 =	vld [tilespmem:s0+$0xC090]  }
0x92: {  	v11 =	vld [tilespmem:s0+$0xC0A0]  }
0x93: {  	v12 =	vld [tilespmem:s0+$0xC0B0]  }
0x94: {  	v13 =	vld [tilespmem:s0+$0xC0C0]  }
0x95: {  	v14 =	vld [tilespmem:s0+$0xC0D0]  }
0x96: {  	[tilespmem:s0+$0x40F0] =	vst.add.f32.msk $0xffff, v0  }
0x97: {  	v0 =	vld [tilespmem:s0+$0xC0E0]  }
0x98: {  	[tilespmem:s0+$0x4000] =	vst.add.f32.msk $0xffff, v1  }
0x99: {  	[tilespmem:s0+$0x4010] =	vst.add.f32.msk $0xffff, v2  }
0x9a: {  	[tilespmem:s0+$0x4020] =	vst.add.f32.msk $0xffff, v3  }
0x9b: {  	[tilespmem:s0+$0x4030] =	vst.add.f32.msk $0xffff, v4  }
0x9c: {  	[tilespmem:s0+$0x4040] =	vst.add.f32.msk $0xffff, v5  }
0x9d: {  	[tilespmem:s0+$0x4050] =	vst.add.f32.msk $0xffff, v6  }
0x9e: {  	[tilespmem:s0+$0x4060] =	vst.add.f32.msk $0xffff, v7  }
0x9f: {  	[tilespmem:s0+$0x4070] =	vst.add.f32.msk $0xffff, v8  }
0xa0: {  	[tilespmem:s0+$0x4080] =	vst.add.f32.msk $0xffff, v9  }
0xa1: {  	[tilespmem:s0+$0x4090] =	vst.add.f32.msk $0xffff, v10  }
0xa2: {  	[tilespmem:s0+$0x40A0] =	vst.add.f32.msk $0xffff, v11  }
0xa3: {  	[tilespmem:s0+$0x40B0] =	vst.add.f32.msk $0xffff, v12  }
0xa4: {  	[tilespmem:s0+$0x40C0] =	vst.add.f32.msk $0xffff, v13  }
0xa5: {  	s2 =	simm.s32 $0x0;
	s3 =	simm.s32 $0x400;
	[tilespmem:s0+$0x40D0] =	vst.add.f32.msk $0xffff, v14  }
.LBB2_4:
0xa6: {  	s2 =	sadd.s32 $0x10, s2;
	[tilespmem:s0+$0x40E0] =	vst.add.f32.msk $0xffff, v0;
	s0 =	sshra.s32 s3, $0x2  }
0xa7: {  	v0 =	vld [tilespmem:s0+$0xC0F0];
	p0 =	slt.u32 s2, $0x3F0  }
0xa8: {  	v1 =	vld [tilespmem:s0+$0xC000]  }
0xa9: {  	v2 =	vld [tilespmem:s0+$0xC010]  }
0xaa: {  	v3 =	vld [tilespmem:s0+$0xC020]  }
0xab: {  	v4 =	vld [tilespmem:s0+$0xC030]  }
0xac: {  	[tilespmem:s0+$0x40F0] =	vst.add.f32.msk $0xffff, v0  }
0xad: {  	v5 =	vld [tilespmem:s0+$0xC040]  }
0xae: {  	v6 =	vld [tilespmem:s0+$0xC050]  }
0xaf: {  	v7 =	vld [tilespmem:s0+$0xC060]  }
0xb0: {  	v8 =	vld [tilespmem:s0+$0xC070]  }
0xb1: {  	v9 =	vld [tilespmem:s0+$0xC080]  }
0xb2: {  	v10 =	vld [tilespmem:s0+$0xC090]  }
0xb3: {  	v11 =	vld [tilespmem:s0+$0xC0A0]  }
0xb4: {  	v12 =	vld [tilespmem:s0+$0xC0B0]  }
0xb5: {  	v13 =	vld [tilespmem:s0+$0xC0C0]  }
0xb6: {  	v14 =	vld [tilespmem:s0+$0xC0D0]  }
0xb7: {  	v0 =	vld [tilespmem:s0+$0xC0E0]  }
0xb8: {  	[tilespmem:s0+$0x4000] =	vst.add.f32.msk $0xffff, v1  }
0xb9: {  	[tilespmem:s0+$0x4010] =	vst.add.f32.msk $0xffff, v2  }
0xba: {  	[tilespmem:s0+$0x4020] =	vst.add.f32.msk $0xffff, v3  }
0xbb: {  	[tilespmem:s0+$0x4030] =	vst.add.f32.msk $0xffff, v4  }
0xbc: {  	[tilespmem:s0+$0x4040] =	vst.add.f32.msk $0xffff, v5  }
0xbd: {  	[tilespmem:s0+$0x4050] =	vst.add.f32.msk $0xffff, v6  }
0xbe: {  	[tilespmem:s0+$0x4060] =	vst.add.f32.msk $0xffff, v7  }
0xbf: {  	[tilespmem:s0+$0x4070] =	vst.add.f32.msk $0xffff, v8  }
0xc0: {  	[tilespmem:s0+$0x4080] =	vst.add.f32.msk $0xffff, v9  }
.Ltmp1:
0xc1: {  	[tilespmem:s0+$0x4090] =	vst.add.f32.msk $0xffff, v10;
	(pc) =	sbr.rel @p0 .LBB2_4-.Ltmp1, $4  }
0xc2: {  	[tilespmem:s0+$0x40A0] =	vst.add.f32.msk $0xffff, v11  }
0xc3: {  	[tilespmem:s0+$0x40B0] =	vst.add.f32.msk $0xffff, v12  }
0xc4: {  	[tilespmem:s0+$0x40C0] =	vst.add.f32.msk $0xffff, v13  }
0xc5: {  	s3 =	sadd.s32 $0x400, s3;
	[tilespmem:s0+$0x40D0] =	vst.add.f32.msk $0xffff, v14  }
0xc6: {  	[tilespmem:s0+$0x40E0] =	vst.add.f32.msk $0xffff, v0  }
0xc7: {  	s0 =	simm.s32 $0x0;
	s2 =	rddreg [dreg:$0x5]  }
0xc8: {  	[hbm4b:s2+s0] =	stream.linear.scatter [tilespmem:s24], [sflag:$0x6], $0x4000, $0x38;
	[tilespmem:$0x10000] =	vst v63  }
0xc9: {  	_ =	swait.ge [sflag:s22], $0x4000  }
0xca: {  	[sflag:s22] =	ssyncset.done $0x0  }
0xcb: {  	[sflag:s22] =	ssyncadd.s32 $0xFFFFC000  }
0xcc: {  	_ =	swait.ge [sflag:s23], $0x4000  }
0xcd: {  	[sflag:s23] =	ssyncset.done $0x0  }
0xce: {  	[sflag:s23] =	ssyncadd.s32 $0xFFFFC000  }
0xcf: {  	_ =	swait.ge [sflag:s31], $0x4000  }
0xd0: {  	[sflag:s31] =	ssyncset.done $0x0  }
0xd1: {  	s3 =	rddreg [dreg:$0x6];
	[sflag:s31] =	ssyncadd.s32 $0xFFFFC000  }
0xd2: {  	[tilespmem:s24], [sflag:$0x2] =	stream.linear.gather [hbm4b:s3+s0], $0x4000, $0x38;
	[tilespmem:$0x10000] =	vst v63  }
0xd3: {  	_ = 	snop  }
0xd4: {  	[tilespmem:s25], [sflag:$0x4] =	stream.linear.gather [hbm4b:s7+s0], $0x4000, $0x38;
	[tilespmem:$0x10000] =	vst v63  }
0xd5: {  	s0 =	simm.s32 $0x0  }
0xd6: {  	v0 =	vld [tilespmem:s0+$0x80F0]  }
0xd7: {  	v1 =	vld [tilespmem:s0+$0x8000]  }
0xd8: {  	v2 =	vld [tilespmem:s0+$0x8010]  }
0xd9: {  	v3 =	vld [tilespmem:s0+$0x8020]  }
0xda: {  	v4 =	vld [tilespmem:s0+$0x8030]  }
0xdb: {  	v5 =	vld [tilespmem:s0+$0x8040]  }
0xdc: {  	v6 =	vld [tilespmem:s0+$0x8050]  }
0xdd: {  	v7 =	vld [tilespmem:s0+$0x8060]  }
0xde: {  	v8 =	vld [tilespmem:s0+$0x8070]  }
0xdf: {  	v9 =	vld [tilespmem:s0+$0x8080]  }
0xe0: {  	v10 =	vld [tilespmem:s0+$0x8090]  }
0xe1: {  	v11 =	vld [tilespmem:s0+$0x80A0]  }
0xe2: {  	v12 =	vld [tilespmem:s0+$0x80B0]  }
0xe3: {  	v13 =	vld [tilespmem:s0+$0x80C0]  }
0xe4: {  	v14 =	vld [tilespmem:s0+$0x80D0]  }
0xe5: {  	[tilespmem:s0+$0xF0] =	vst.add.f32.msk $0xffff, v0  }
0xe6: {  	v0 =	vld [tilespmem:s0+$0x80E0]  }
0xe7: {  	[tilespmem:s0+$0x0] =	vst.add.f32.msk $0xffff, v1  }
0xe8: {  	[tilespmem:s0+$0x10] =	vst.add.f32.msk $0xffff, v2  }
0xe9: {  	[tilespmem:s0+$0x20] =	vst.add.f32.msk $0xffff, v3  }
0xea: {  	[tilespmem:s0+$0x30] =	vst.add.f32.msk $0xffff, v4  }
0xeb: {  	[tilespmem:s0+$0x40] =	vst.add.f32.msk $0xffff, v5  }
0xec: {  	[tilespmem:s0+$0x50] =	vst.add.f32.msk $0xffff, v6  }
0xed: {  	[tilespmem:s0+$0x60] =	vst.add.f32.msk $0xffff, v7  }
0xee: {  	[tilespmem:s0+$0x70] =	vst.add.f32.msk $0xffff, v8  }
0xef: {  	[tilespmem:s0+$0x80] =	vst.add.f32.msk $0xffff, v9  }
0xf0: {  	[tilespmem:s0+$0x90] =	vst.add.f32.msk $0xffff, v10  }
0xf1: {  	[tilespmem:s0+$0xA0] =	vst.add.f32.msk $0xffff, v11  }
0xf2: {  	[tilespmem:s0+$0xB0] =	vst.add.f32.msk $0xffff, v12  }
0xf3: {  	[tilespmem:s0+$0xC0] =	vst.add.f32.msk $0xffff, v13  }
0xf4: {  	s2 =	simm.s32 $0x0;
	s3 =	simm.s32 $0x400;
	[tilespmem:s0+$0xD0] =	vst.add.f32.msk $0xffff, v14  }
.LBB2_6:
0xf5: {  	s2 =	sadd.s32 $0x10, s2;
	[tilespmem:s0+$0xE0] =	vst.add.f32.msk $0xffff, v0;
	s0 =	sshra.s32 s3, $0x2  }
0xf6: {  	v0 =	vld [tilespmem:s0+$0x80F0];
	p0 =	slt.u32 s2, $0x3F0  }
0xf7: {  	v1 =	vld [tilespmem:s0+$0x8000]  }
0xf8: {  	v2 =	vld [tilespmem:s0+$0x8010]  }
0xf9: {  	v3 =	vld [tilespmem:s0+$0x8020]  }
0xfa: {  	v4 =	vld [tilespmem:s0+$0x8030]  }
0xfb: {  	[tilespmem:s0+$0xF0] =	vst.add.f32.msk $0xffff, v0  }
0xfc: {  	v5 =	vld [tilespmem:s0+$0x8040]  }
0xfd: {  	v6 =	vld [tilespmem:s0+$0x8050]  }
0xfe: {  	v7 =	vld [tilespmem:s0+$0x8060]  }
0xff: {  	v8 =	vld [tilespmem:s0+$0x8070]  }
0x100: {  	v9 =	vld [tilespmem:s0+$0x8080]  }
0x101: {  	v10 =	vld [tilespmem:s0+$0x8090]  }
0x102: {  	v11 =	vld [tilespmem:s0+$0x80A0]  }
0x103: {  	v12 =	vld [tilespmem:s0+$0x80B0]  }
0x104: {  	v13 =	vld [tilespmem:s0+$0x80C0]  }
0x105: {  	v14 =	vld [tilespmem:s0+$0x80D0]  }
0x106: {  	v0 =	vld [tilespmem:s0+$0x80E0]  }
0x107: {  	[tilespmem:s0+$0x0] =	vst.add.f32.msk $0xffff, v1  }
0x108: {  	[tilespmem:s0+$0x10] =	vst.add.f32.msk $0xffff, v2  }
0x109: {  	[tilespmem:s0+$0x20] =	vst.add.f32.msk $0xffff, v3  }
0x10a: {  	[tilespmem:s0+$0x30] =	vst.add.f32.msk $0xffff, v4  }
0x10b: {  	[tilespmem:s0+$0x40] =	vst.add.f32.msk $0xffff, v5  }
0x10c: {  	[tilespmem:s0+$0x50] =	vst.add.f32.msk $0xffff, v6  }
0x10d: {  	[tilespmem:s0+$0x60] =	vst.add.f32.msk $0xffff, v7  }
0x10e: {  	[tilespmem:s0+$0x70] =	vst.add.f32.msk $0xffff, v8  }
0x10f: {  	[tilespmem:s0+$0x80] =	vst.add.f32.msk $0xffff, v9  }
.Ltmp2:
0x110: {  	[tilespmem:s0+$0x90] =	vst.add.f32.msk $0xffff, v10;
	(pc) =	sbr.rel @p0 .LBB2_6-.Ltmp2, $4  }
0x111: {  	[tilespmem:s0+$0xA0] =	vst.add.f32.msk $0xffff, v11  }
0x112: {  	[tilespmem:s0+$0xB0] =	vst.add.f32.msk $0xffff, v12  }
0x113: {  	[tilespmem:s0+$0xC0] =	vst.add.f32.msk $0xffff, v13  }
0x114: {  	s3 =	sadd.s32 $0x400, s3;
	[tilespmem:s0+$0xD0] =	vst.add.f32.msk $0xffff, v14  }
0x115: {  	[tilespmem:s0+$0xE0] =	vst.add.f32.msk $0xffff, v0  }
0x116: {  	s0 =	simm.s32 $0x0;
	s2 =	rddreg [dreg:$0x7]  }
0x117: {  	[hbm4b:s2+s0] =	stream.linear.scatter [tilespmem:s0], [sflag:$0x5], $0x4000, $0x38;
	[tilespmem:$0x10000] =	vst v63  }
0x118: {  	_ =	swait.ge [sflag:s26], $0x4000  }
0x119: {  	[sflag:s26] =	ssyncset.done $0x0  }
0x11a: {  	[sflag:s26] =	ssyncadd.s32 $0xFFFFC000  }
0x11b: {  	_ =	swait.ge [sflag:s28], $0x4000  }
0x11c: {  	[sflag:s28] =	ssyncset.done $0x0  }
0x11d: {  	[sflag:s28] =	ssyncadd.s32 $0xFFFFC000  }
0x11e: {  	_ =	swait.ge [sflag:s30], $0x4000  }
0x11f: {  	[sflag:s30] =	ssyncset.done $0x0  }
0x120: {  	s3 =	rddreg [dreg:$0x8];
	[sflag:s30] =	ssyncadd.s32 $0xFFFFC000  }
0x121: {  	[tilespmem:s0], [sflag:$0x1] =	stream.linear.gather [hbm4b:s3+s0], $0x4000, $0x38;
	[tilespmem:$0x10000] =	vst v63  }
0x122: {  	_ = 	snop  }
0x123: {  	[tilespmem:s21], [sflag:$0x3] =	stream.linear.gather [hbm4b:s8+s0], $0x4000, $0x38;
	[tilespmem:$0x10000] =	vst v63  }
0x124: {  	s0 =	simm.s32 $0x0  }
0x125: {  	v0 =	vld [tilespmem:s0+$0xC0F0]  }
0x126: {  	v1 =	vld [tilespmem:s0+$0xC000]  }
0x127: {  	v2 =	vld [tilespmem:s0+$0xC010]  }
0x128: {  	v3 =	vld [tilespmem:s0+$0xC020]  }
0x129: {  	v4 =	vld [tilespmem:s0+$0xC030]  }
0x12a: {  	v5 =	vld [tilespmem:s0+$0xC040]  }
0x12b: {  	v6 =	vld [tilespmem:s0+$0xC050]  }
0x12c: {  	v7 =	vld [tilespmem:s0+$0xC060]  }
0x12d: {  	v8 =	vld [tilespmem:s0+$0xC070]  }
0x12e: {  	v9 =	vld [tilespmem:s0+$0xC080]  }
0x12f: {  	v10 =	vld [tilespmem:s0+$0xC090]  }
0x130: {  	v11 =	vld [tilespmem:s0+$0xC0A0]  }
0x131: {  	v12 =	vld [tilespmem:s0+$0xC0B0]  }
0x132: {  	v13 =	vld [tilespmem:s0+$0xC0C0]  }
0x133: {  	v14 =	vld [tilespmem:s0+$0xC0D0]  }
0x134: {  	[tilespmem:s0+$0x40F0] =	vst.add.f32.msk $0xffff, v0  }
0x135: {  	v0 =	vld [tilespmem:s0+$0xC0E0]  }
0x136: {  	[tilespmem:s0+$0x4000] =	vst.add.f32.msk $0xffff, v1  }
0x137: {  	[tilespmem:s0+$0x4010] =	vst.add.f32.msk $0xffff, v2  }
0x138: {  	[tilespmem:s0+$0x4020] =	vst.add.f32.msk $0xffff, v3  }
0x139: {  	[tilespmem:s0+$0x4030] =	vst.add.f32.msk $0xffff, v4  }
0x13a: {  	[tilespmem:s0+$0x4040] =	vst.add.f32.msk $0xffff, v5  }
0x13b: {  	[tilespmem:s0+$0x4050] =	vst.add.f32.msk $0xffff, v6  }
0x13c: {  	[tilespmem:s0+$0x4060] =	vst.add.f32.msk $0xffff, v7  }
0x13d: {  	[tilespmem:s0+$0x4070] =	vst.add.f32.msk $0xffff, v8  }
0x13e: {  	[tilespmem:s0+$0x4080] =	vst.add.f32.msk $0xffff, v9  }
0x13f: {  	[tilespmem:s0+$0x4090] =	vst.add.f32.msk $0xffff, v10  }
0x140: {  	[tilespmem:s0+$0x40A0] =	vst.add.f32.msk $0xffff, v11  }
0x141: {  	[tilespmem:s0+$0x40B0] =	vst.add.f32.msk $0xffff, v12  }
0x142: {  	[tilespmem:s0+$0x40C0] =	vst.add.f32.msk $0xffff, v13  }
0x143: {  	s2 =	simm.s32 $0x0;
	s3 =	simm.s32 $0x400;
	[tilespmem:s0+$0x40D0] =	vst.add.f32.msk $0xffff, v14  }
.LBB2_8:
0x144: {  	s2 =	sadd.s32 $0x10, s2;
	[tilespmem:s0+$0x40E0] =	vst.add.f32.msk $0xffff, v0;
	s0 =	sshra.s32 s3, $0x2  }
0x145: {  	v0 =	vld [tilespmem:s0+$0xC0F0];
	p0 =	slt.u32 s2, $0x3F0  }
0x146: {  	v1 =	vld [tilespmem:s0+$0xC000]  }
0x147: {  	v2 =	vld [tilespmem:s0+$0xC010]  }
0x148: {  	v3 =	vld [tilespmem:s0+$0xC020]  }
0x149: {  	v4 =	vld [tilespmem:s0+$0xC030]  }
0x14a: {  	[tilespmem:s0+$0x40F0] =	vst.add.f32.msk $0xffff, v0  }
0x14b: {  	v5 =	vld [tilespmem:s0+$0xC040]  }
0x14c: {  	v6 =	vld [tilespmem:s0+$0xC050]  }
0x14d: {  	v7 =	vld [tilespmem:s0+$0xC060]  }
0x14e: {  	v8 =	vld [tilespmem:s0+$0xC070]  }
0x14f: {  	v9 =	vld [tilespmem:s0+$0xC080]  }
0x150: {  	v10 =	vld [tilespmem:s0+$0xC090]  }
0x151: {  	v11 =	vld [tilespmem:s0+$0xC0A0]  }
0x152: {  	v12 =	vld [tilespmem:s0+$0xC0B0]  }
0x153: {  	v13 =	vld [tilespmem:s0+$0xC0C0]  }
0x154: {  	v14 =	vld [tilespmem:s0+$0xC0D0]  }
0x155: {  	v0 =	vld [tilespmem:s0+$0xC0E0]  }
0x156: {  	[tilespmem:s0+$0x4000] =	vst.add.f32.msk $0xffff, v1  }
0x157: {  	[tilespmem:s0+$0x4010] =	vst.add.f32.msk $0xffff, v2  }
0x158: {  	[tilespmem:s0+$0x4020] =	vst.add.f32.msk $0xffff, v3  }
0x159: {  	[tilespmem:s0+$0x4030] =	vst.add.f32.msk $0xffff, v4  }
0x15a: {  	[tilespmem:s0+$0x4040] =	vst.add.f32.msk $0xffff, v5  }
0x15b: {  	[tilespmem:s0+$0x4050] =	vst.add.f32.msk $0xffff, v6  }
0x15c: {  	[tilespmem:s0+$0x4060] =	vst.add.f32.msk $0xffff, v7  }
0x15d: {  	[tilespmem:s0+$0x4070] =	vst.add.f32.msk $0xffff, v8  }
0x15e: {  	[tilespmem:s0+$0x4080] =	vst.add.f32.msk $0xffff, v9  }
.Ltmp3:
0x15f: {  	[tilespmem:s0+$0x4090] =	vst.add.f32.msk $0xffff, v10;
	(pc) =	sbr.rel @p0 .LBB2_8-.Ltmp3, $4  }
0x160: {  	[tilespmem:s0+$0x40A0] =	vst.add.f32.msk $0xffff, v11  }
0x161: {  	[tilespmem:s0+$0x40B0] =	vst.add.f32.msk $0xffff, v12  }
0x162: {  	[tilespmem:s0+$0x40C0] =	vst.add.f32.msk $0xffff, v13  }
0x163: {  	s3 =	sadd.s32 $0x400, s3;
	[tilespmem:s0+$0x40D0] =	vst.add.f32.msk $0xffff, v14  }
0x164: {  	[tilespmem:s0+$0x40E0] =	vst.add.f32.msk $0xffff, v0  }
0x165: {  	s0 =	simm.s32 $0x0;
	s2 =	rddreg [dreg:$0x9]  }
0x166: {  	[hbm4b:s2+s0] =	stream.linear.scatter [tilespmem:s24], [sflag:$0x6], $0x4000, $0x38;
	[tilespmem:$0x10000] =	vst v63  }
0x167: {  	_ =	swait.ge [sflag:s22], $0x4000  }
0x168: {  	[sflag:s22] =	ssyncset.done $0x0  }
0x169: {  	[sflag:s22] =	ssyncadd.s32 $0xFFFFC000  }
0x16a: {  	_ =	swait.ge [sflag:s23], $0x4000  }
0x16b: {  	[sflag:s23] =	ssyncset.done $0x0  }
0x16c: {  	[sflag:s23] =	ssyncadd.s32 $0xFFFFC000  }
0x16d: {  	_ =	swait.ge [sflag:s31], $0x4000  }
0x16e: {  	[sflag:s31] =	ssyncset.done $0x0  }
0x16f: {  	s3 =	rddreg [dreg:$0xa];
	[sflag:s31] =	ssyncadd.s32 $0xFFFFC000  }
0x170: {  	[tilespmem:s24], [sflag:$0x2] =	stream.linear.gather [hbm4b:s3+s0], $0x4000, $0x38;
	[tilespmem:$0x10000] =	vst v63  }
0x171: {  	_ = 	snop  }
0x172: {  	[tilespmem:s25], [sflag:$0x4] =	stream.linear.gather [hbm4b:s9+s0], $0x4000, $0x38;
	[tilespmem:$0x10000] =	vst v63  }
0x173: {  	s0 =	simm.s32 $0x0  }
0x174: {  	v0 =	vld [tilespmem:s0+$0x80F0]  }
0x175: {  	v1 =	vld [tilespmem:s0+$0x8000]  }
0x176: {  	v2 =	vld [tilespmem:s0+$0x8010]  }
0x177: {  	v3 =	vld [tilespmem:s0+$0x8020]  }
0x178: {  	v4 =	vld [tilespmem:s0+$0x8030]  }
0x179: {  	v5 =	vld [tilespmem:s0+$0x8040]  }
0x17a: {  	v6 =	vld [tilespmem:s0+$0x8050]  }
0x17b: {  	v7 =	vld [tilespmem:s0+$0x8060]  }
0x17c: {  	v8 =	vld [tilespmem:s0+$0x8070]  }
0x17d: {  	v9 =	vld [tilespmem:s0+$0x8080]  }
0x17e: {  	v10 =	vld [tilespmem:s0+$0x8090]  }
0x17f: {  	v11 =	vld [tilespmem:s0+$0x80A0]  }
0x180: {  	v12 =	vld [tilespmem:s0+$0x80B0]  }
0x181: {  	v13 =	vld [tilespmem:s0+$0x80C0]  }
0x182: {  	v14 =	vld [tilespmem:s0+$0x80D0]  }
0x183: {  	[tilespmem:s0+$0xF0] =	vst.add.f32.msk $0xffff, v0  }
0x184: {  	v0 =	vld [tilespmem:s0+$0x80E0]  }
0x185: {  	[tilespmem:s0+$0x0] =	vst.add.f32.msk $0xffff, v1  }
0x186: {  	[tilespmem:s0+$0x10] =	vst.add.f32.msk $0xffff, v2  }
0x187: {  	[tilespmem:s0+$0x20] =	vst.add.f32.msk $0xffff, v3  }
0x188: {  	[tilespmem:s0+$0x30] =	vst.add.f32.msk $0xffff, v4  }
0x189: {  	[tilespmem:s0+$0x40] =	vst.add.f32.msk $0xffff, v5  }
0x18a: {  	[tilespmem:s0+$0x50] =	vst.add.f32.msk $0xffff, v6  }
0x18b: {  	[tilespmem:s0+$0x60] =	vst.add.f32.msk $0xffff, v7  }
0x18c: {  	[tilespmem:s0+$0x70] =	vst.add.f32.msk $0xffff, v8  }
0x18d: {  	[tilespmem:s0+$0x80] =	vst.add.f32.msk $0xffff, v9  }
0x18e: {  	[tilespmem:s0+$0x90] =	vst.add.f32.msk $0xffff, v10  }
0x18f: {  	[tilespmem:s0+$0xA0] =	vst.add.f32.msk $0xffff, v11  }
0x190: {  	[tilespmem:s0+$0xB0] =	vst.add.f32.msk $0xffff, v12  }
0x191: {  	[tilespmem:s0+$0xC0] =	vst.add.f32.msk $0xffff, v13  }
0x192: {  	s2 =	simm.s32 $0x0;
	s3 =	simm.s32 $0x400;
	[tilespmem:s0+$0xD0] =	vst.add.f32.msk $0xffff, v14  }
.LBB2_10:
0x193: {  	s2 =	sadd.s32 $0x10, s2;
	[tilespmem:s0+$0xE0] =	vst.add.f32.msk $0xffff, v0;
	s0 =	sshra.s32 s3, $0x2  }
0x194: {  	v0 =	vld [tilespmem:s0+$0x80F0];
	p0 =	slt.u32 s2, $0x3F0  }
0x195: {  	v1 =	vld [tilespmem:s0+$0x8000]  }
0x196: {  	v2 =	vld [tilespmem:s0+$0x8010]  }
0x197: {  	v3 =	vld [tilespmem:s0+$0x8020]  }
0x198: {  	v4 =	vld [tilespmem:s0+$0x8030]  }
0x199: {  	[tilespmem:s0+$0xF0] =	vst.add.f32.msk $0xffff, v0  }
0x19a: {  	v5 =	vld [tilespmem:s0+$0x8040]  }
0x19b: {  	v6 =	vld [tilespmem:s0+$0x8050]  }
0x19c: {  	v7 =	vld [tilespmem:s0+$0x8060]  }
0x19d: {  	v8 =	vld [tilespmem:s0+$0x8070]  }
0x19e: {  	v9 =	vld [tilespmem:s0+$0x8080]  }
0x19f: {  	v10 =	vld [tilespmem:s0+$0x8090]  }
0x1a0: {  	v11 =	vld [tilespmem:s0+$0x80A0]  }
0x1a1: {  	v12 =	vld [tilespmem:s0+$0x80B0]  }
0x1a2: {  	v13 =	vld [tilespmem:s0+$0x80C0]  }
0x1a3: {  	v14 =	vld [tilespmem:s0+$0x80D0]  }
0x1a4: {  	v0 =	vld [tilespmem:s0+$0x80E0]  }
0x1a5: {  	[tilespmem:s0+$0x0] =	vst.add.f32.msk $0xffff, v1  }
0x1a6: {  	[tilespmem:s0+$0x10] =	vst.add.f32.msk $0xffff, v2  }
0x1a7: {  	[tilespmem:s0+$0x20] =	vst.add.f32.msk $0xffff, v3  }
0x1a8: {  	[tilespmem:s0+$0x30] =	vst.add.f32.msk $0xffff, v4  }
0x1a9: {  	[tilespmem:s0+$0x40] =	vst.add.f32.msk $0xffff, v5  }
0x1aa: {  	[tilespmem:s0+$0x50] =	vst.add.f32.msk $0xffff, v6  }
0x1ab: {  	[tilespmem:s0+$0x60] =	vst.add.f32.msk $0xffff, v7  }
0x1ac: {  	[tilespmem:s0+$0x70] =	vst.add.f32.msk $0xffff, v8  }
0x1ad: {  	[tilespmem:s0+$0x80] =	vst.add.f32.msk $0xffff, v9  }
.Ltmp4:
0x1ae: {  	[tilespmem:s0+$0x90] =	vst.add.f32.msk $0xffff, v10;
	(pc) =	sbr.rel @p0 .LBB2_10-.Ltmp4, $4  }
0x1af: {  	[tilespmem:s0+$0xA0] =	vst.add.f32.msk $0xffff, v11  }
0x1b0: {  	[tilespmem:s0+$0xB0] =	vst.add.f32.msk $0xffff, v12  }
0x1b1: {  	[tilespmem:s0+$0xC0] =	vst.add.f32.msk $0xffff, v13  }
0x1b2: {  	s3 =	sadd.s32 $0x400, s3;
	[tilespmem:s0+$0xD0] =	vst.add.f32.msk $0xffff, v14  }
0x1b3: {  	[tilespmem:s0+$0xE0] =	vst.add.f32.msk $0xffff, v0  }
0x1b4: {  	s0 =	simm.s32 $0x0;
	s2 =	rddreg [dreg:$0xb]  }
0x1b5: {  	[hbm4b:s2+s0] =	stream.linear.scatter [tilespmem:s0], [sflag:$0x5], $0x4000, $0x38;
	[tilespmem:$0x10000] =	vst v63  }
0x1b6: {  	_ =	swait.ge [sflag:s26], $0x4000  }
0x1b7: {  	[sflag:s26] =	ssyncset.done $0x0  }
0x1b8: {  	[sflag:s26] =	ssyncadd.s32 $0xFFFFC000  }
0x1b9: {  	_ =	swait.ge [sflag:s28], $0x4000  }
0x1ba: {  	[sflag:s28] =	ssyncset.done $0x0  }
0x1bb: {  	[sflag:s28] =	ssyncadd.s32 $0xFFFFC000  }
0x1bc: {  	_ =	swait.ge [sflag:s30], $0x4000  }
0x1bd: {  	[sflag:s30] =	ssyncset.done $0x0  }
0x1be: {  	s3 =	rddreg [dreg:$0xc];
	[sflag:s30] =	ssyncadd.s32 $0xFFFFC000  }
0x1bf: {  	[tilespmem:s0], [sflag:$0x1] =	stream.linear.gather [hbm4b:s3+s0], $0x4000, $0x38;
	[tilespmem:$0x10000] =	vst v63  }
0x1c0: {  	_ = 	snop  }
0x1c1: {  	[tilespmem:s21], [sflag:$0x3] =	stream.linear.gather [hbm4b:s10+s0], $0x4000, $0x38;
	[tilespmem:$0x10000] =	vst v63  }
0x1c2: {  	s0 =	simm.s32 $0x0  }
0x1c3: {  	v0 =	vld [tilespmem:s0+$0xC0F0]  }
0x1c4: {  	v1 =	vld [tilespmem:s0+$0xC000]  }
0x1c5: {  	v2 =	vld [tilespmem:s0+$0xC010]  }
0x1c6: {  	v3 =	vld [tilespmem:s0+$0xC020]  }
0x1c7: {  	v4 =	vld [tilespmem:s0+$0xC030]  }
0x1c8: {  	v5 =	vld [tilespmem:s0+$0xC040]  }
0x1c9: {  	v6 =	vld [tilespmem:s0+$0xC050]  }
0x1ca: {  	v7 =	vld [tilespmem:s0+$0xC060]  }
0x1cb: {  	v8 =	vld [tilespmem:s0+$0xC070]  }
0x1cc: {  	v9 =	vld [tilespmem:s0+$0xC080]  }
0x1cd: {  	v10 =	vld [tilespmem:s0+$0xC090]  }
0x1ce: {  	v11 =	vld [tilespmem:s0+$0xC0A0]  }
0x1cf: {  	v12 =	vld [tilespmem:s0+$0xC0B0]  }
0x1d0: {  	v13 =	vld [tilespmem:s0+$0xC0C0]  }
0x1d1: {  	v14 =	vld [tilespmem:s0+$0xC0D0]  }
0x1d2: {  	[tilespmem:s0+$0x40F0] =	vst.add.f32.msk $0xffff, v0  }
0x1d3: {  	v0 =	vld [tilespmem:s0+$0xC0E0]  }
0x1d4: {  	[tilespmem:s0+$0x4000] =	vst.add.f32.msk $0xffff, v1  }
0x1d5: {  	[tilespmem:s0+$0x4010] =	vst.add.f32.msk $0xffff, v2  }
0x1d6: {  	[tilespmem:s0+$0x4020] =	vst.add.f32.msk $0xffff, v3  }
0x1d7: {  	[tilespmem:s0+$0x4030] =	vst.add.f32.msk $0xffff, v4  }
0x1d8: {  	[tilespmem:s0+$0x4040] =	vst.add.f32.msk $0xffff, v5  }
0x1d9: {  	[tilespmem:s0+$0x4050] =	vst.add.f32.msk $0xffff, v6  }
0x1da: {  	[tilespmem:s0+$0x4060] =	vst.add.f32.msk $0xffff, v7  }
0x1db: {  	[tilespmem:s0+$0x4070] =	vst.add.f32.msk $0xffff, v8  }
0x1dc: {  	[tilespmem:s0+$0x4080] =	vst.add.f32.msk $0xffff, v9  }
0x1dd: {  	[tilespmem:s0+$0x4090] =	vst.add.f32.msk $0xffff, v10  }
0x1de: {  	[tilespmem:s0+$0x40A0] =	vst.add.f32.msk $0xffff, v11  }
0x1df: {  	[tilespmem:s0+$0x40B0] =	vst.add.f32.msk $0xffff, v12  }
0x1e0: {  	[tilespmem:s0+$0x40C0] =	vst.add.f32.msk $0xffff, v13  }
0x1e1: {  	s2 =	simm.s32 $0x0;
	s3 =	simm.s32 $0x400;
	[tilespmem:s0+$0x40D0] =	vst.add.f32.msk $0xffff, v14  }
.LBB2_12:
0x1e2: {  	s2 =	sadd.s32 $0x10, s2;
	[tilespmem:s0+$0x40E0] =	vst.add.f32.msk $0xffff, v0;
	s0 =	sshra.s32 s3, $0x2  }
0x1e3: {  	v0 =	vld [tilespmem:s0+$0xC0F0];
	p0 =	slt.u32 s2, $0x3F0  }
0x1e4: {  	v1 =	vld [tilespmem:s0+$0xC000]  }
0x1e5: {  	v2 =	vld [tilespmem:s0+$0xC010]  }
0x1e6: {  	v3 =	vld [tilespmem:s0+$0xC020]  }
0x1e7: {  	v4 =	vld [tilespmem:s0+$0xC030]  }
0x1e8: {  	[tilespmem:s0+$0x40F0] =	vst.add.f32.msk $0xffff, v0  }
0x1e9: {  	v5 =	vld [tilespmem:s0+$0xC040]  }
0x1ea: {  	v6 =	vld [tilespmem:s0+$0xC050]  }
0x1eb: {  	v7 =	vld [tilespmem:s0+$0xC060]  }
0x1ec: {  	v8 =	vld [tilespmem:s0+$0xC070]  }
0x1ed: {  	v9 =	vld [tilespmem:s0+$0xC080]  }
0x1ee: {  	v10 =	vld [tilespmem:s0+$0xC090]  }
0x1ef: {  	v11 =	vld [tilespmem:s0+$0xC0A0]  }
0x1f0: {  	v12 =	vld [tilespmem:s0+$0xC0B0]  }
0x1f1: {  	v13 =	vld [tilespmem:s0+$0xC0C0]  }
0x1f2: {  	v14 =	vld [tilespmem:s0+$0xC0D0]  }
0x1f3: {  	v0 =	vld [tilespmem:s0+$0xC0E0]  }
0x1f4: {  	[tilespmem:s0+$0x4000] =	vst.add.f32.msk $0xffff, v1  }
0x1f5: {  	[tilespmem:s0+$0x4010] =	vst.add.f32.msk $0xffff, v2  }
0x1f6: {  	[tilespmem:s0+$0x4020] =	vst.add.f32.msk $0xffff, v3  }
0x1f7: {  	[tilespmem:s0+$0x4030] =	vst.add.f32.msk $0xffff, v4  }
0x1f8: {  	[tilespmem:s0+$0x4040] =	vst.add.f32.msk $0xffff, v5  }
0x1f9: {  	[tilespmem:s0+$0x4050] =	vst.add.f32.msk $0xffff, v6  }
0x1fa: {  	[tilespmem:s0+$0x4060] =	vst.add.f32.msk $0xffff, v7  }
0x1fb: {  	[tilespmem:s0+$0x4070] =	vst.add.f32.msk $0xffff, v8  }
0x1fc: {  	[tilespmem:s0+$0x4080] =	vst.add.f32.msk $0xffff, v9  }
.Ltmp5:
0x1fd: {  	[tilespmem:s0+$0x4090] =	vst.add.f32.msk $0xffff, v10;
	(pc) =	sbr.rel @p0 .LBB2_12-.Ltmp5, $4  }
0x1fe: {  	[tilespmem:s0+$0x40A0] =	vst.add.f32.msk $0xffff, v11  }
0x1ff: {  	[tilespmem:s0+$0x40B0] =	vst.add.f32.msk $0xffff, v12  }
0x200: {  	[tilespmem:s0+$0x40C0] =	vst.add.f32.msk $0xffff, v13  }
0x201: {  	s3 =	sadd.s32 $0x400, s3;
	[tilespmem:s0+$0x40D0] =	vst.add.f32.msk $0xffff, v14  }
0x202: {  	[tilespmem:s0+$0x40E0] =	vst.add.f32.msk $0xffff, v0  }
0x203: {  	s0 =	simm.s32 $0x0;
	s2 =	rddreg [dreg:$0xd]  }
0x204: {  	[hbm4b:s2+s0] =	stream.linear.scatter [tilespmem:s24], [sflag:$0x6], $0x4000, $0x38;
	[tilespmem:$0x10000] =	vst v63  }
0x205: {  	_ =	swait.ge [sflag:s22], $0x4000  }
0x206: {  	[sflag:s22] =	ssyncset.done $0x0  }
0x207: {  	[sflag:s22] =	ssyncadd.s32 $0xFFFFC000  }
0x208: {  	_ =	swait.ge [sflag:s23], $0x4000  }
0x209: {  	[sflag:s23] =	ssyncset.done $0x0  }
0x20a: {  	[sflag:s23] =	ssyncadd.s32 $0xFFFFC000  }
0x20b: {  	_ =	swait.ge [sflag:s31], $0x4000  }
0x20c: {  	[sflag:s31] =	ssyncset.done $0x0  }
0x20d: {  	s3 =	rddreg [dreg:$0xe];
	[sflag:s31] =	ssyncadd.s32 $0xFFFFC000  }
0x20e: {  	[tilespmem:s24], [sflag:$0x2] =	stream.linear.gather [hbm4b:s3+s0], $0x4000, $0x38;
	[tilespmem:$0x10000] =	vst v63  }
0x20f: {  	_ = 	snop  }
0x210: {  	[tilespmem:s25], [sflag:$0x4] =	stream.linear.gather [hbm4b:s11+s0], $0x4000, $0x38;
	[tilespmem:$0x10000] =	vst v63  }
0x211: {  	s0 =	simm.s32 $0x0  }
0x212: {  	v0 =	vld [tilespmem:s0+$0x80F0]  }
0x213: {  	v1 =	vld [tilespmem:s0+$0x8000]  }
0x214: {  	v2 =	vld [tilespmem:s0+$0x8010]  }
0x215: {  	v3 =	vld [tilespmem:s0+$0x8020]  }
0x216: {  	v4 =	vld [tilespmem:s0+$0x8030]  }
0x217: {  	v5 =	vld [tilespmem:s0+$0x8040]  }
0x218: {  	v6 =	vld [tilespmem:s0+$0x8050]  }
0x219: {  	v7 =	vld [tilespmem:s0+$0x8060]  }
0x21a: {  	v8 =	vld [tilespmem:s0+$0x8070]  }
0x21b: {  	v9 =	vld [tilespmem:s0+$0x8080]  }
0x21c: {  	v10 =	vld [tilespmem:s0+$0x8090]  }
0x21d: {  	v11 =	vld [tilespmem:s0+$0x80A0]  }
0x21e: {  	v12 =	vld [tilespmem:s0+$0x80B0]  }
0x21f: {  	v13 =	vld [tilespmem:s0+$0x80C0]  }
0x220: {  	v14 =	vld [tilespmem:s0+$0x80D0]  }
0x221: {  	[tilespmem:s0+$0xF0] =	vst.add.f32.msk $0xffff, v0  }
0x222: {  	v0 =	vld [tilespmem:s0+$0x80E0]  }
0x223: {  	[tilespmem:s0+$0x0] =	vst.add.f32.msk $0xffff, v1  }
0x224: {  	[tilespmem:s0+$0x10] =	vst.add.f32.msk $0xffff, v2  }
0x225: {  	[tilespmem:s0+$0x20] =	vst.add.f32.msk $0xffff, v3  }
0x226: {  	[tilespmem:s0+$0x30] =	vst.add.f32.msk $0xffff, v4  }
0x227: {  	[tilespmem:s0+$0x40] =	vst.add.f32.msk $0xffff, v5  }
0x228: {  	[tilespmem:s0+$0x50] =	vst.add.f32.msk $0xffff, v6  }
0x229: {  	[tilespmem:s0+$0x60] =	vst.add.f32.msk $0xffff, v7  }
0x22a: {  	[tilespmem:s0+$0x70] =	vst.add.f32.msk $0xffff, v8  }
0x22b: {  	[tilespmem:s0+$0x80] =	vst.add.f32.msk $0xffff, v9  }
0x22c: {  	[tilespmem:s0+$0x90] =	vst.add.f32.msk $0xffff, v10  }
0x22d: {  	[tilespmem:s0+$0xA0] =	vst.add.f32.msk $0xffff, v11  }
0x22e: {  	[tilespmem:s0+$0xB0] =	vst.add.f32.msk $0xffff, v12  }
0x22f: {  	[tilespmem:s0+$0xC0] =	vst.add.f32.msk $0xffff, v13  }
0x230: {  	s2 =	simm.s32 $0x0;
	s3 =	simm.s32 $0x400;
	[tilespmem:s0+$0xD0] =	vst.add.f32.msk $0xffff, v14  }
.LBB2_14:
0x231: {  	s2 =	sadd.s32 $0x10, s2;
	[tilespmem:s0+$0xE0] =	vst.add.f32.msk $0xffff, v0;
	s0 =	sshra.s32 s3, $0x2  }
0x232: {  	v0 =	vld [tilespmem:s0+$0x80F0];
	p0 =	slt.u32 s2, $0x3F0  }
0x233: {  	v1 =	vld [tilespmem:s0+$0x8000]  }
0x234: {  	v2 =	vld [tilespmem:s0+$0x8010]  }
0x235: {  	v3 =	vld [tilespmem:s0+$0x8020]  }
0x236: {  	v4 =	vld [tilespmem:s0+$0x8030]  }
0x237: {  	[tilespmem:s0+$0xF0] =	vst.add.f32.msk $0xffff, v0  }
0x238: {  	v5 =	vld [tilespmem:s0+$0x8040]  }
0x239: {  	v6 =	vld [tilespmem:s0+$0x8050]  }
0x23a: {  	v7 =	vld [tilespmem:s0+$0x8060]  }
0x23b: {  	v8 =	vld [tilespmem:s0+$0x8070]  }
0x23c: {  	v9 =	vld [tilespmem:s0+$0x8080]  }
0x23d: {  	v10 =	vld [tilespmem:s0+$0x8090]  }
0x23e: {  	v11 =	vld [tilespmem:s0+$0x80A0]  }
0x23f: {  	v12 =	vld [tilespmem:s0+$0x80B0]  }
0x240: {  	v13 =	vld [tilespmem:s0+$0x80C0]  }
0x241: {  	v14 =	vld [tilespmem:s0+$0x80D0]  }
0x242: {  	v0 =	vld [tilespmem:s0+$0x80E0]  }
0x243: {  	[tilespmem:s0+$0x0] =	vst.add.f32.msk $0xffff, v1  }
0x244: {  	[tilespmem:s0+$0x10] =	vst.add.f32.msk $0xffff, v2  }
0x245: {  	[tilespmem:s0+$0x20] =	vst.add.f32.msk $0xffff, v3  }
0x246: {  	[tilespmem:s0+$0x30] =	vst.add.f32.msk $0xffff, v4  }
0x247: {  	[tilespmem:s0+$0x40] =	vst.add.f32.msk $0xffff, v5  }
0x248: {  	[tilespmem:s0+$0x50] =	vst.add.f32.msk $0xffff, v6  }
0x249: {  	[tilespmem:s0+$0x60] =	vst.add.f32.msk $0xffff, v7  }
0x24a: {  	[tilespmem:s0+$0x70] =	vst.add.f32.msk $0xffff, v8  }
0x24b: {  	[tilespmem:s0+$0x80] =	vst.add.f32.msk $0xffff, v9  }
.Ltmp6:
0x24c: {  	[tilespmem:s0+$0x90] =	vst.add.f32.msk $0xffff, v10;
	(pc) =	sbr.rel @p0 .LBB2_14-.Ltmp6, $4  }
0x24d: {  	[tilespmem:s0+$0xA0] =	vst.add.f32.msk $0xffff, v11  }
0x24e: {  	[tilespmem:s0+$0xB0] =	vst.add.f32.msk $0xffff, v12  }
0x24f: {  	[tilespmem:s0+$0xC0] =	vst.add.f32.msk $0xffff, v13  }
0x250: {  	s3 =	sadd.s32 $0x400, s3;
	[tilespmem:s0+$0xD0] =	vst.add.f32.msk $0xffff, v14  }
0x251: {  	[tilespmem:s0+$0xE0] =	vst.add.f32.msk $0xffff, v0  }
0x252: {  	s0 =	simm.s32 $0x0;
	s2 =	rddreg [dreg:$0xf]  }
0x253: {  	[hbm4b:s2+s0] =	stream.linear.scatter [tilespmem:s0], [sflag:$0x5], $0x4000, $0x38;
	[tilespmem:$0x10000] =	vst v63  }
0x254: {  	_ =	swait.ge [sflag:s26], $0x4000  }
0x255: {  	[sflag:s26] =	ssyncset.done $0x0  }
0x256: {  	[sflag:s26] =	ssyncadd.s32 $0xFFFFC000  }
0x257: {  	_ =	swait.ge [sflag:s28], $0x4000  }
0x258: {  	[sflag:s28] =	ssyncset.done $0x0  }
0x259: {  	[sflag:s28] =	ssyncadd.s32 $0xFFFFC000  }
0x25a: {  	_ =	swait.ge [sflag:s30], $0x4000  }
0x25b: {  	[sflag:s30] =	ssyncset.done $0x0  }
0x25c: {  	s3 =	rddreg [dreg:$0x10];
	[sflag:s30] =	ssyncadd.s32 $0xFFFFC000  }
0x25d: {  	[tilespmem:s0], [sflag:$0x1] =	stream.linear.gather [hbm4b:s3+s0], $0x4000, $0x38;
	[tilespmem:$0x10000] =	vst v63  }
0x25e: {  	_ = 	snop  }
0x25f: {  	[tilespmem:s21], [sflag:$0x3] =	stream.linear.gather [hbm4b:s12+s0], $0x4000, $0x38;
	[tilespmem:$0x10000] =	vst v63  }
0x260: {  	s0 =	simm.s32 $0x0  }
0x261: {  	v0 =	vld [tilespmem:s0+$0xC0F0]  }
0x262: {  	v1 =	vld [tilespmem:s0+$0xC000]  }
0x263: {  	v2 =	vld [tilespmem:s0+$0xC010]  }
0x264: {  	v3 =	vld [tilespmem:s0+$0xC020]  }
0x265: {  	v4 =	vld [tilespmem:s0+$0xC030]  }
0x266: {  	v5 =	vld [tilespmem:s0+$0xC040]  }
0x267: {  	v6 =	vld [tilespmem:s0+$0xC050]  }
0x268: {  	v7 =	vld [tilespmem:s0+$0xC060]  }
0x269: {  	v8 =	vld [tilespmem:s0+$0xC070]  }
0x26a: {  	v9 =	vld [tilespmem:s0+$0xC080]  }
0x26b: {  	v10 =	vld [tilespmem:s0+$0xC090]  }
0x26c: {  	v11 =	vld [tilespmem:s0+$0xC0A0]  }
0x26d: {  	v12 =	vld [tilespmem:s0+$0xC0B0]  }
0x26e: {  	v13 =	vld [tilespmem:s0+$0xC0C0]  }
0x26f: {  	v14 =	vld [tilespmem:s0+$0xC0D0]  }
0x270: {  	[tilespmem:s0+$0x40F0] =	vst.add.f32.msk $0xffff, v0  }
0x271: {  	v0 =	vld [tilespmem:s0+$0xC0E0]  }
0x272: {  	[tilespmem:s0+$0x4000] =	vst.add.f32.msk $0xffff, v1  }
0x273: {  	[tilespmem:s0+$0x4010] =	vst.add.f32.msk $0xffff, v2  }
0x274: {  	[tilespmem:s0+$0x4020] =	vst.add.f32.msk $0xffff, v3  }
0x275: {  	[tilespmem:s0+$0x4030] =	vst.add.f32.msk $0xffff, v4  }
0x276: {  	[tilespmem:s0+$0x4040] =	vst.add.f32.msk $0xffff, v5  }
0x277: {  	[tilespmem:s0+$0x4050] =	vst.add.f32.msk $0xffff, v6  }
0x278: {  	[tilespmem:s0+$0x4060] =	vst.add.f32.msk $0xffff, v7  }
0x279: {  	[tilespmem:s0+$0x4070] =	vst.add.f32.msk $0xffff, v8  }
0x27a: {  	[tilespmem:s0+$0x4080] =	vst.add.f32.msk $0xffff, v9  }
0x27b: {  	[tilespmem:s0+$0x4090] =	vst.add.f32.msk $0xffff, v10  }
0x27c: {  	[tilespmem:s0+$0x40A0] =	vst.add.f32.msk $0xffff, v11  }
0x27d: {  	[tilespmem:s0+$0x40B0] =	vst.add.f32.msk $0xffff, v12  }
0x27e: {  	[tilespmem:s0+$0x40C0] =	vst.add.f32.msk $0xffff, v13  }
0x27f: {  	s2 =	simm.s32 $0x0;
	s3 =	simm.s32 $0x400;
	[tilespmem:s0+$0x40D0] =	vst.add.f32.msk $0xffff, v14  }
.LBB2_16:
0x280: {  	s2 =	sadd.s32 $0x10, s2;
	[tilespmem:s0+$0x40E0] =	vst.add.f32.msk $0xffff, v0;
	s0 =	sshra.s32 s3, $0x2  }
0x281: {  	v0 =	vld [tilespmem:s0+$0xC0F0];
	p0 =	slt.u32 s2, $0x3F0  }
0x282: {  	v1 =	vld [tilespmem:s0+$0xC000]  }
0x283: {  	v2 =	vld [tilespmem:s0+$0xC010]  }
0x284: {  	v3 =	vld [tilespmem:s0+$0xC020]  }
0x285: {  	v4 =	vld [tilespmem:s0+$0xC030]  }
0x286: {  	[tilespmem:s0+$0x40F0] =	vst.add.f32.msk $0xffff, v0  }
0x287: {  	v5 =	vld [tilespmem:s0+$0xC040]  }
0x288: {  	v6 =	vld [tilespmem:s0+$0xC050]  }
0x289: {  	v7 =	vld [tilespmem:s0+$0xC060]  }
0x28a: {  	v8 =	vld [tilespmem:s0+$0xC070]  }
0x28b: {  	v9 =	vld [tilespmem:s0+$0xC080]  }
0x28c: {  	v10 =	vld [tilespmem:s0+$0xC090]  }
0x28d: {  	v11 =	vld [tilespmem:s0+$0xC0A0]  }
0x28e: {  	v12 =	vld [tilespmem:s0+$0xC0B0]  }
0x28f: {  	v13 =	vld [tilespmem:s0+$0xC0C0]  }
0x290: {  	v14 =	vld [tilespmem:s0+$0xC0D0]  }
0x291: {  	v0 =	vld [tilespmem:s0+$0xC0E0]  }
0x292: {  	[tilespmem:s0+$0x4000] =	vst.add.f32.msk $0xffff, v1  }
0x293: {  	[tilespmem:s0+$0x4010] =	vst.add.f32.msk $0xffff, v2  }
0x294: {  	[tilespmem:s0+$0x4020] =	vst.add.f32.msk $0xffff, v3  }
0x295: {  	[tilespmem:s0+$0x4030] =	vst.add.f32.msk $0xffff, v4  }
0x296: {  	[tilespmem:s0+$0x4040] =	vst.add.f32.msk $0xffff, v5  }
0x297: {  	[tilespmem:s0+$0x4050] =	vst.add.f32.msk $0xffff, v6  }
0x298: {  	[tilespmem:s0+$0x4060] =	vst.add.f32.msk $0xffff, v7  }
0x299: {  	[tilespmem:s0+$0x4070] =	vst.add.f32.msk $0xffff, v8  }
0x29a: {  	[tilespmem:s0+$0x4080] =	vst.add.f32.msk $0xffff, v9  }
.Ltmp7:
0x29b: {  	[tilespmem:s0+$0x4090] =	vst.add.f32.msk $0xffff, v10;
	(pc) =	sbr.rel @p0 .LBB2_16-.Ltmp7, $4  }
0x29c: {  	[tilespmem:s0+$0x40A0] =	vst.add.f32.msk $0xffff, v11  }
0x29d: {  	[tilespmem:s0+$0x40B0] =	vst.add.f32.msk $0xffff, v12  }
0x29e: {  	[tilespmem:s0+$0x40C0] =	vst.add.f32.msk $0xffff, v13  }
0x29f: {  	s3 =	sadd.s32 $0x400, s3;
	[tilespmem:s0+$0x40D0] =	vst.add.f32.msk $0xffff, v14  }
0x2a0: {  	[tilespmem:s0+$0x40E0] =	vst.add.f32.msk $0xffff, v0  }
0x2a1: {  	s0 =	simm.s32 $0x0;
	s2 =	rddreg [dreg:$0x11]  }
0x2a2: {  	[hbm4b:s2+s0] =	stream.linear.scatter [tilespmem:s24], [sflag:$0x6], $0x4000, $0x38;
	[tilespmem:$0x10000] =	vst v63  }
0x2a3: {  	_ =	swait.ge [sflag:s22], $0x4000  }
0x2a4: {  	[sflag:s22] =	ssyncset.done $0x0  }
0x2a5: {  	[sflag:s22] =	ssyncadd.s32 $0xFFFFC000  }
0x2a6: {  	_ =	swait.ge [sflag:s23], $0x4000  }
0x2a7: {  	[sflag:s23] =	ssyncset.done $0x0  }
0x2a8: {  	[sflag:s23] =	ssyncadd.s32 $0xFFFFC000  }
0x2a9: {  	_ =	swait.ge [sflag:s31], $0x4000  }
0x2aa: {  	[sflag:s31] =	ssyncset.done $0x0  }
0x2ab: {  	s3 =	rddreg [dreg:$0x12];
	[sflag:s31] =	ssyncadd.s32 $0xFFFFC000  }
0x2ac: {  	[tilespmem:s24], [sflag:$0x2] =	stream.linear.gather [hbm4b:s3+s0], $0x4000, $0x38;
	[tilespmem:$0x10000] =	vst v63  }
0x2ad: {  	_ = 	snop  }
0x2ae: {  	[tilespmem:s25], [sflag:$0x4] =	stream.linear.gather [hbm4b:s13+s0], $0x4000, $0x38;
	[tilespmem:$0x10000] =	vst v63  }
0x2af: {  	s0 =	simm.s32 $0x0  }
0x2b0: {  	v0 =	vld [tilespmem:s0+$0x80F0]  }
0x2b1: {  	v1 =	vld [tilespmem:s0+$0x8000]  }
0x2b2: {  	v2 =	vld [tilespmem:s0+$0x8010]  }
0x2b3: {  	v3 =	vld [tilespmem:s0+$0x8020]  }
0x2b4: {  	v4 =	vld [tilespmem:s0+$0x8030]  }
0x2b5: {  	v5 =	vld [tilespmem:s0+$0x8040]  }
0x2b6: {  	v6 =	vld [tilespmem:s0+$0x8050]  }
0x2b7: {  	v7 =	vld [tilespmem:s0+$0x8060]  }
0x2b8: {  	v8 =	vld [tilespmem:s0+$0x8070]  }
0x2b9: {  	v9 =	vld [tilespmem:s0+$0x8080]  }
0x2ba: {  	v10 =	vld [tilespmem:s0+$0x8090]  }
0x2bb: {  	v11 =	vld [tilespmem:s0+$0x80A0]  }
0x2bc: {  	v12 =	vld [tilespmem:s0+$0x80B0]  }
0x2bd: {  	v13 =	vld [tilespmem:s0+$0x80C0]  }
0x2be: {  	v14 =	vld [tilespmem:s0+$0x80D0]  }
0x2bf: {  	[tilespmem:s0+$0xF0] =	vst.add.f32.msk $0xffff, v0  }
0x2c0: {  	v0 =	vld [tilespmem:s0+$0x80E0]  }
0x2c1: {  	[tilespmem:s0+$0x0] =	vst.add.f32.msk $0xffff, v1  }
0x2c2: {  	[tilespmem:s0+$0x10] =	vst.add.f32.msk $0xffff, v2  }
0x2c3: {  	[tilespmem:s0+$0x20] =	vst.add.f32.msk $0xffff, v3  }
0x2c4: {  	[tilespmem:s0+$0x30] =	vst.add.f32.msk $0xffff, v4  }
0x2c5: {  	[tilespmem:s0+$0x40] =	vst.add.f32.msk $0xffff, v5  }
0x2c6: {  	[tilespmem:s0+$0x50] =	vst.add.f32.msk $0xffff, v6  }
0x2c7: {  	[tilespmem:s0+$0x60] =	vst.add.f32.msk $0xffff, v7  }
0x2c8: {  	[tilespmem:s0+$0x70] =	vst.add.f32.msk $0xffff, v8  }
0x2c9: {  	[tilespmem:s0+$0x80] =	vst.add.f32.msk $0xffff, v9  }
0x2ca: {  	[tilespmem:s0+$0x90] =	vst.add.f32.msk $0xffff, v10  }
0x2cb: {  	[tilespmem:s0+$0xA0] =	vst.add.f32.msk $0xffff, v11  }
0x2cc: {  	[tilespmem:s0+$0xB0] =	vst.add.f32.msk $0xffff, v12  }
0x2cd: {  	[tilespmem:s0+$0xC0] =	vst.add.f32.msk $0xffff, v13  }
0x2ce: {  	s2 =	simm.s32 $0x0;
	s3 =	simm.s32 $0x400;
	[tilespmem:s0+$0xD0] =	vst.add.f32.msk $0xffff, v14  }
.LBB2_18:
0x2cf: {  	s2 =	sadd.s32 $0x10, s2;
	[tilespmem:s0+$0xE0] =	vst.add.f32.msk $0xffff, v0;
	s0 =	sshra.s32 s3, $0x2  }
0x2d0: {  	v0 =	vld [tilespmem:s0+$0x80F0];
	p0 =	slt.u32 s2, $0x3F0  }
0x2d1: {  	v1 =	vld [tilespmem:s0+$0x8000]  }
0x2d2: {  	v2 =	vld [tilespmem:s0+$0x8010]  }
0x2d3: {  	v3 =	vld [tilespmem:s0+$0x8020]  }
0x2d4: {  	v4 =	vld [tilespmem:s0+$0x8030]  }
0x2d5: {  	[tilespmem:s0+$0xF0] =	vst.add.f32.msk $0xffff, v0  }
0x2d6: {  	v5 =	vld [tilespmem:s0+$0x8040]  }
0x2d7: {  	v6 =	vld [tilespmem:s0+$0x8050]  }
0x2d8: {  	v7 =	vld [tilespmem:s0+$0x8060]  }
0x2d9: {  	v8 =	vld [tilespmem:s0+$0x8070]  }
0x2da: {  	v9 =	vld [tilespmem:s0+$0x8080]  }
0x2db: {  	v10 =	vld [tilespmem:s0+$0x8090]  }
0x2dc: {  	v11 =	vld [tilespmem:s0+$0x80A0]  }
0x2dd: {  	v12 =	vld [tilespmem:s0+$0x80B0]  }
0x2de: {  	v13 =	vld [tilespmem:s0+$0x80C0]  }
0x2df: {  	v14 =	vld [tilespmem:s0+$0x80D0]  }
0x2e0: {  	v0 =	vld [tilespmem:s0+$0x80E0]  }
0x2e1: {  	[tilespmem:s0+$0x0] =	vst.add.f32.msk $0xffff, v1  }
0x2e2: {  	[tilespmem:s0+$0x10] =	vst.add.f32.msk $0xffff, v2  }
0x2e3: {  	[tilespmem:s0+$0x20] =	vst.add.f32.msk $0xffff, v3  }
0x2e4: {  	[tilespmem:s0+$0x30] =	vst.add.f32.msk $0xffff, v4  }
0x2e5: {  	[tilespmem:s0+$0x40] =	vst.add.f32.msk $0xffff, v5  }
0x2e6: {  	[tilespmem:s0+$0x50] =	vst.add.f32.msk $0xffff, v6  }
0x2e7: {  	[tilespmem:s0+$0x60] =	vst.add.f32.msk $0xffff, v7  }
0x2e8: {  	[tilespmem:s0+$0x70] =	vst.add.f32.msk $0xffff, v8  }
0x2e9: {  	[tilespmem:s0+$0x80] =	vst.add.f32.msk $0xffff, v9  }
.Ltmp8:
0x2ea: {  	[tilespmem:s0+$0x90] =	vst.add.f32.msk $0xffff, v10;
	(pc) =	sbr.rel @p0 .LBB2_18-.Ltmp8, $4  }
0x2eb: {  	[tilespmem:s0+$0xA0] =	vst.add.f32.msk $0xffff, v11  }
0x2ec: {  	[tilespmem:s0+$0xB0] =	vst.add.f32.msk $0xffff, v12  }
0x2ed: {  	[tilespmem:s0+$0xC0] =	vst.add.f32.msk $0xffff, v13  }
0x2ee: {  	s3 =	sadd.s32 $0x400, s3;
	[tilespmem:s0+$0xD0] =	vst.add.f32.msk $0xffff, v14  }
0x2ef: {  	[tilespmem:s0+$0xE0] =	vst.add.f32.msk $0xffff, v0  }
0x2f0: {  	s0 =	simm.s32 $0x0;
	s2 =	rddreg [dreg:$0x13]  }
0x2f1: {  	[hbm4b:s2+s0] =	stream.linear.scatter [tilespmem:s0], [sflag:$0x5], $0x4000, $0x38;
	[tilespmem:$0x10000] =	vst v63  }
0x2f2: {  	_ =	swait.ge [sflag:s26], $0x4000  }
0x2f3: {  	[sflag:s26] =	ssyncset.done $0x0  }
0x2f4: {  	[sflag:s26] =	ssyncadd.s32 $0xFFFFC000  }
0x2f5: {  	_ =	swait.ge [sflag:s28], $0x4000  }
0x2f6: {  	[sflag:s28] =	ssyncset.done $0x0  }
0x2f7: {  	[sflag:s28] =	ssyncadd.s32 $0xFFFFC000  }
0x2f8: {  	_ =	swait.ge [sflag:s30], $0x4000  }
0x2f9: {  	[sflag:s30] =	ssyncset.done $0x0  }
0x2fa: {  	s3 =	rddreg [dreg:$0x15];
	[sflag:s30] =	ssyncadd.s32 $0xFFFFC000  }
0x2fb: {  	[tilespmem:s0], [sflag:$0x1] =	stream.linear.gather [hbm4b:s3+s0], $0x4000, $0x38;
	[tilespmem:$0x10000] =	vst v63  }
0x2fc: {  	_ = 	snop  }
0x2fd: {  	[tilespmem:s21], [sflag:$0x3] =	stream.linear.gather [hbm4b:s14+s0], $0x4000, $0x38;
	[tilespmem:$0x10000] =	vst v63  }
0x2fe: {  	s0 =	simm.s32 $0x0  }
0x2ff: {  	v0 =	vld [tilespmem:s0+$0xC0F0]  }
0x300: {  	v1 =	vld [tilespmem:s0+$0xC000]  }
0x301: {  	v2 =	vld [tilespmem:s0+$0xC010]  }
0x302: {  	v3 =	vld [tilespmem:s0+$0xC020]  }
0x303: {  	v4 =	vld [tilespmem:s0+$0xC030]  }
0x304: {  	v5 =	vld [tilespmem:s0+$0xC040]  }
0x305: {  	v6 =	vld [tilespmem:s0+$0xC050]  }
0x306: {  	v7 =	vld [tilespmem:s0+$0xC060]  }
0x307: {  	v8 =	vld [tilespmem:s0+$0xC070]  }
0x308: {  	v9 =	vld [tilespmem:s0+$0xC080]  }
0x309: {  	v10 =	vld [tilespmem:s0+$0xC090]  }
0x30a: {  	v11 =	vld [tilespmem:s0+$0xC0A0]  }
0x30b: {  	v12 =	vld [tilespmem:s0+$0xC0B0]  }
0x30c: {  	v13 =	vld [tilespmem:s0+$0xC0C0]  }
0x30d: {  	v14 =	vld [tilespmem:s0+$0xC0D0]  }
0x30e: {  	[tilespmem:s0+$0x40F0] =	vst.add.f32.msk $0xffff, v0  }
0x30f: {  	v0 =	vld [tilespmem:s0+$0xC0E0]  }
0x310: {  	[tilespmem:s0+$0x4000] =	vst.add.f32.msk $0xffff, v1  }
0x311: {  	[tilespmem:s0+$0x4010] =	vst.add.f32.msk $0xffff, v2  }
0x312: {  	[tilespmem:s0+$0x4020] =	vst.add.f32.msk $0xffff, v3  }
0x313: {  	[tilespmem:s0+$0x4030] =	vst.add.f32.msk $0xffff, v4  }
0x314: {  	[tilespmem:s0+$0x4040] =	vst.add.f32.msk $0xffff, v5  }
0x315: {  	[tilespmem:s0+$0x4050] =	vst.add.f32.msk $0xffff, v6  }
0x316: {  	[tilespmem:s0+$0x4060] =	vst.add.f32.msk $0xffff, v7  }
0x317: {  	[tilespmem:s0+$0x4070] =	vst.add.f32.msk $0xffff, v8  }
0x318: {  	[tilespmem:s0+$0x4080] =	vst.add.f32.msk $0xffff, v9  }
0x319: {  	[tilespmem:s0+$0x4090] =	vst.add.f32.msk $0xffff, v10  }
0x31a: {  	[tilespmem:s0+$0x40A0] =	vst.add.f32.msk $0xffff, v11  }
0x31b: {  	[tilespmem:s0+$0x40B0] =	vst.add.f32.msk $0xffff, v12  }
0x31c: {  	[tilespmem:s0+$0x40C0] =	vst.add.f32.msk $0xffff, v13  }
0x31d: {  	s2 =	simm.s32 $0x0;
	s3 =	simm.s32 $0x400;
	[tilespmem:s0+$0x40D0] =	vst.add.f32.msk $0xffff, v14  }
.LBB2_20:
0x31e: {  	s2 =	sadd.s32 $0x10, s2;
	[tilespmem:s0+$0x40E0] =	vst.add.f32.msk $0xffff, v0;
	s0 =	sshra.s32 s3, $0x2  }
0x31f: {  	v0 =	vld [tilespmem:s0+$0xC0F0];
	p0 =	slt.u32 s2, $0x3F0  }
0x320: {  	v1 =	vld [tilespmem:s0+$0xC000]  }
0x321: {  	v2 =	vld [tilespmem:s0+$0xC010]  }
0x322: {  	v3 =	vld [tilespmem:s0+$0xC020]  }
0x323: {  	v4 =	vld [tilespmem:s0+$0xC030]  }
0x324: {  	[tilespmem:s0+$0x40F0] =	vst.add.f32.msk $0xffff, v0  }
0x325: {  	v5 =	vld [tilespmem:s0+$0xC040]  }
0x326: {  	v6 =	vld [tilespmem:s0+$0xC050]  }
0x327: {  	v7 =	vld [tilespmem:s0+$0xC060]  }
0x328: {  	v8 =	vld [tilespmem:s0+$0xC070]  }
0x329: {  	v9 =	vld [tilespmem:s0+$0xC080]  }
0x32a: {  	v10 =	vld [tilespmem:s0+$0xC090]  }
0x32b: {  	v11 =	vld [tilespmem:s0+$0xC0A0]  }
0x32c: {  	v12 =	vld [tilespmem:s0+$0xC0B0]  }
0x32d: {  	v13 =	vld [tilespmem:s0+$0xC0C0]  }
0x32e: {  	v14 =	vld [tilespmem:s0+$0xC0D0]  }
0x32f: {  	v0 =	vld [tilespmem:s0+$0xC0E0]  }
0x330: {  	[tilespmem:s0+$0x4000] =	vst.add.f32.msk $0xffff, v1  }
0x331: {  	[tilespmem:s0+$0x4010] =	vst.add.f32.msk $0xffff, v2  }
0x332: {  	[tilespmem:s0+$0x4020] =	vst.add.f32.msk $0xffff, v3  }
0x333: {  	[tilespmem:s0+$0x4030] =	vst.add.f32.msk $0xffff, v4  }
0x334: {  	[tilespmem:s0+$0x4040] =	vst.add.f32.msk $0xffff, v5  }
0x335: {  	[tilespmem:s0+$0x4050] =	vst.add.f32.msk $0xffff, v6  }
0x336: {  	[tilespmem:s0+$0x4060] =	vst.add.f32.msk $0xffff, v7  }
0x337: {  	[tilespmem:s0+$0x4070] =	vst.add.f32.msk $0xffff, v8  }
0x338: {  	[tilespmem:s0+$0x4080] =	vst.add.f32.msk $0xffff, v9  }
.Ltmp9:
0x339: {  	[tilespmem:s0+$0x4090] =	vst.add.f32.msk $0xffff, v10;
	(pc) =	sbr.rel @p0 .LBB2_20-.Ltmp9, $4  }
0x33a: {  	[tilespmem:s0+$0x40A0] =	vst.add.f32.msk $0xffff, v11  }
0x33b: {  	[tilespmem:s0+$0x40B0] =	vst.add.f32.msk $0xffff, v12  }
0x33c: {  	[tilespmem:s0+$0x40C0] =	vst.add.f32.msk $0xffff, v13  }
0x33d: {  	s3 =	sadd.s32 $0x400, s3;
	[tilespmem:s0+$0x40D0] =	vst.add.f32.msk $0xffff, v14  }
0x33e: {  	[tilespmem:s0+$0x40E0] =	vst.add.f32.msk $0xffff, v0  }
0x33f: {  	s0 =	simm.s32 $0x0;
	s2 =	rddreg [dreg:$0x14]  }
0x340: {  	[hbm4b:s2+s0] =	stream.linear.scatter [tilespmem:s24], [sflag:$0x6], $0x4000, $0x38;
	[tilespmem:$0x10000] =	vst v63  }
0x341: {  	_ =	swait.ge [sflag:s22], $0x4000  }
0x342: {  	[sflag:s22] =	ssyncset.done $0x0  }
0x343: {  	[sflag:s22] =	ssyncadd.s32 $0xFFFFC000  }
0x344: {  	_ =	swait.ge [sflag:s23], $0x4000  }
0x345: {  	[sflag:s23] =	ssyncset.done $0x0  }
0x346: {  	[sflag:s23] =	ssyncadd.s32 $0xFFFFC000  }
0x347: {  	_ =	swait.ge [sflag:s31], $0x4000  }
0x348: {  	[sflag:s31] =	ssyncset.done $0x0  }
0x349: {  	s3 =	rddreg [dreg:$0x17];
	[sflag:s31] =	ssyncadd.s32 $0xFFFFC000  }
0x34a: {  	[tilespmem:s24], [sflag:$0x2] =	stream.linear.gather [hbm4b:s3+s0], $0x4000, $0x38;
	[tilespmem:$0x10000] =	vst v63  }
0x34b: {  	_ = 	snop  }
0x34c: {  	[tilespmem:s25], [sflag:$0x4] =	stream.linear.gather [hbm4b:s15+s0], $0x4000, $0x38;
	[tilespmem:$0x10000] =	vst v63  }
0x34d: {  	s0 =	simm.s32 $0x0  }
0x34e: {  	v0 =	vld [tilespmem:s0+$0x80F0]  }
0x34f: {  	v1 =	vld [tilespmem:s0+$0x8000]  }
0x350: {  	v2 =	vld [tilespmem:s0+$0x8010]  }
0x351: {  	v3 =	vld [tilespmem:s0+$0x8020]  }
0x352: {  	v4 =	vld [tilespmem:s0+$0x8030]  }
0x353: {  	v5 =	vld [tilespmem:s0+$0x8040]  }
0x354: {  	v6 =	vld [tilespmem:s0+$0x8050]  }
0x355: {  	v7 =	vld [tilespmem:s0+$0x8060]  }
0x356: {  	v8 =	vld [tilespmem:s0+$0x8070]  }
0x357: {  	v9 =	vld [tilespmem:s0+$0x8080]  }
0x358: {  	v10 =	vld [tilespmem:s0+$0x8090]  }
0x359: {  	v11 =	vld [tilespmem:s0+$0x80A0]  }
0x35a: {  	v12 =	vld [tilespmem:s0+$0x80B0]  }
0x35b: {  	v13 =	vld [tilespmem:s0+$0x80C0]  }
0x35c: {  	v14 =	vld [tilespmem:s0+$0x80D0]  }
0x35d: {  	[tilespmem:s0+$0xF0] =	vst.add.f32.msk $0xffff, v0  }
0x35e: {  	v0 =	vld [tilespmem:s0+$0x80E0]  }
0x35f: {  	[tilespmem:s0+$0x0] =	vst.add.f32.msk $0xffff, v1  }
0x360: {  	[tilespmem:s0+$0x10] =	vst.add.f32.msk $0xffff, v2  }
0x361: {  	[tilespmem:s0+$0x20] =	vst.add.f32.msk $0xffff, v3  }
0x362: {  	[tilespmem:s0+$0x30] =	vst.add.f32.msk $0xffff, v4  }
0x363: {  	[tilespmem:s0+$0x40] =	vst.add.f32.msk $0xffff, v5  }
0x364: {  	[tilespmem:s0+$0x50] =	vst.add.f32.msk $0xffff, v6  }
0x365: {  	[tilespmem:s0+$0x60] =	vst.add.f32.msk $0xffff, v7  }
0x366: {  	[tilespmem:s0+$0x70] =	vst.add.f32.msk $0xffff, v8  }
0x367: {  	[tilespmem:s0+$0x80] =	vst.add.f32.msk $0xffff, v9  }
0x368: {  	[tilespmem:s0+$0x90] =	vst.add.f32.msk $0xffff, v10  }
0x369: {  	[tilespmem:s0+$0xA0] =	vst.add.f32.msk $0xffff, v11  }
0x36a: {  	[tilespmem:s0+$0xB0] =	vst.add.f32.msk $0xffff, v12  }
0x36b: {  	[tilespmem:s0+$0xC0] =	vst.add.f32.msk $0xffff, v13  }
0x36c: {  	s2 =	simm.s32 $0x0;
	s3 =	simm.s32 $0x400;
	[tilespmem:s0+$0xD0] =	vst.add.f32.msk $0xffff, v14  }
.LBB2_22:
0x36d: {  	s2 =	sadd.s32 $0x10, s2;
	[tilespmem:s0+$0xE0] =	vst.add.f32.msk $0xffff, v0;
	s0 =	sshra.s32 s3, $0x2  }
0x36e: {  	v0 =	vld [tilespmem:s0+$0x80F0];
	p0 =	slt.u32 s2, $0x3F0  }
0x36f: {  	v1 =	vld [tilespmem:s0+$0x8000]  }
0x370: {  	v2 =	vld [tilespmem:s0+$0x8010]  }
0x371: {  	v3 =	vld [tilespmem:s0+$0x8020]  }
0x372: {  	v4 =	vld [tilespmem:s0+$0x8030]  }
0x373: {  	[tilespmem:s0+$0xF0] =	vst.add.f32.msk $0xffff, v0  }
0x374: {  	v5 =	vld [tilespmem:s0+$0x8040]  }
0x375: {  	v6 =	vld [tilespmem:s0+$0x8050]  }
0x376: {  	v7 =	vld [tilespmem:s0+$0x8060]  }
0x377: {  	v8 =	vld [tilespmem:s0+$0x8070]  }
0x378: {  	v9 =	vld [tilespmem:s0+$0x8080]  }
0x379: {  	v10 =	vld [tilespmem:s0+$0x8090]  }
0x37a: {  	v11 =	vld [tilespmem:s0+$0x80A0]  }
0x37b: {  	v12 =	vld [tilespmem:s0+$0x80B0]  }
0x37c: {  	v13 =	vld [tilespmem:s0+$0x80C0]  }
0x37d: {  	v14 =	vld [tilespmem:s0+$0x80D0]  }
0x37e: {  	v0 =	vld [tilespmem:s0+$0x80E0]  }
0x37f: {  	[tilespmem:s0+$0x0] =	vst.add.f32.msk $0xffff, v1  }
0x380: {  	[tilespmem:s0+$0x10] =	vst.add.f32.msk $0xffff, v2  }
0x381: {  	[tilespmem:s0+$0x20] =	vst.add.f32.msk $0xffff, v3  }
0x382: {  	[tilespmem:s0+$0x30] =	vst.add.f32.msk $0xffff, v4  }
0x383: {  	[tilespmem:s0+$0x40] =	vst.add.f32.msk $0xffff, v5  }
0x384: {  	[tilespmem:s0+$0x50] =	vst.add.f32.msk $0xffff, v6  }
0x385: {  	[tilespmem:s0+$0x60] =	vst.add.f32.msk $0xffff, v7  }
0x386: {  	[tilespmem:s0+$0x70] =	vst.add.f32.msk $0xffff, v8  }
0x387: {  	[tilespmem:s0+$0x80] =	vst.add.f32.msk $0xffff, v9  }
.Ltmp10:
0x388: {  	[tilespmem:s0+$0x90] =	vst.add.f32.msk $0xffff, v10;
	(pc) =	sbr.rel @p0 .LBB2_22-.Ltmp10, $4  }
0x389: {  	[tilespmem:s0+$0xA0] =	vst.add.f32.msk $0xffff, v11  }
0x38a: {  	[tilespmem:s0+$0xB0] =	vst.add.f32.msk $0xffff, v12  }
0x38b: {  	[tilespmem:s0+$0xC0] =	vst.add.f32.msk $0xffff, v13  }
0x38c: {  	s3 =	sadd.s32 $0x400, s3;
	[tilespmem:s0+$0xD0] =	vst.add.f32.msk $0xffff, v14  }
0x38d: {  	[tilespmem:s0+$0xE0] =	vst.add.f32.msk $0xffff, v0  }
0x38e: {  	s0 =	simm.s32 $0x0;
	s2 =	rddreg [dreg:$0x16]  }
0x38f: {  	[hbm4b:s2+s0] =	stream.linear.scatter [tilespmem:s0], [sflag:$0x5], $0x4000, $0x38;
	[tilespmem:$0x10000] =	vst v63  }
0x390: {  	_ =	swait.ge [sflag:s26], $0x4000  }
0x391: {  	[sflag:s26] =	ssyncset.done $0x0  }
0x392: {  	[sflag:s26] =	ssyncadd.s32 $0xFFFFC000  }
0x393: {  	_ =	swait.ge [sflag:s28], $0x4000  }
0x394: {  	[sflag:s28] =	ssyncset.done $0x0  }
0x395: {  	[sflag:s28] =	ssyncadd.s32 $0xFFFFC000  }
0x396: {  	_ =	swait.ge [sflag:s30], $0x4000  }
0x397: {  	[sflag:s30] =	ssyncset.done $0x0  }
0x398: {  	s3 =	rddreg [dreg:$0x19];
	[sflag:s30] =	ssyncadd.s32 $0xFFFFC000  }
0x399: {  	[tilespmem:s0], [sflag:$0x1] =	stream.linear.gather [hbm4b:s3+s0], $0x4000, $0x38;
	[tilespmem:$0x10000] =	vst v63  }
0x39a: {  	_ = 	snop  }
0x39b: {  	[tilespmem:s21], [sflag:$0x3] =	stream.linear.gather [hbm4b:s16+s0], $0x4000, $0x38;
	[tilespmem:$0x10000] =	vst v63  }
0x39c: {  	s0 =	simm.s32 $0x0  }
0x39d: {  	v0 =	vld [tilespmem:s0+$0xC0F0]  }
0x39e: {  	v1 =	vld [tilespmem:s0+$0xC000]  }
0x39f: {  	v2 =	vld [tilespmem:s0+$0xC010]  }
0x3a0: {  	v3 =	vld [tilespmem:s0+$0xC020]  }
0x3a1: {  	v4 =	vld [tilespmem:s0+$0xC030]  }
0x3a2: {  	v5 =	vld [tilespmem:s0+$0xC040]  }
0x3a3: {  	v6 =	vld [tilespmem:s0+$0xC050]  }
0x3a4: {  	v7 =	vld [tilespmem:s0+$0xC060]  }
0x3a5: {  	v8 =	vld [tilespmem:s0+$0xC070]  }
0x3a6: {  	v9 =	vld [tilespmem:s0+$0xC080]  }
0x3a7: {  	v10 =	vld [tilespmem:s0+$0xC090]  }
0x3a8: {  	v11 =	vld [tilespmem:s0+$0xC0A0]  }
0x3a9: {  	v12 =	vld [tilespmem:s0+$0xC0B0]  }
0x3aa: {  	v13 =	vld [tilespmem:s0+$0xC0C0]  }
0x3ab: {  	v14 =	vld [tilespmem:s0+$0xC0D0]  }
0x3ac: {  	[tilespmem:s0+$0x40F0] =	vst.add.f32.msk $0xffff, v0  }
0x3ad: {  	v0 =	vld [tilespmem:s0+$0xC0E0]  }
0x3ae: {  	[tilespmem:s0+$0x4000] =	vst.add.f32.msk $0xffff, v1  }
0x3af: {  	[tilespmem:s0+$0x4010] =	vst.add.f32.msk $0xffff, v2  }
0x3b0: {  	[tilespmem:s0+$0x4020] =	vst.add.f32.msk $0xffff, v3  }
0x3b1: {  	[tilespmem:s0+$0x4030] =	vst.add.f32.msk $0xffff, v4  }
0x3b2: {  	[tilespmem:s0+$0x4040] =	vst.add.f32.msk $0xffff, v5  }
0x3b3: {  	[tilespmem:s0+$0x4050] =	vst.add.f32.msk $0xffff, v6  }
0x3b4: {  	[tilespmem:s0+$0x4060] =	vst.add.f32.msk $0xffff, v7  }
0x3b5: {  	[tilespmem:s0+$0x4070] =	vst.add.f32.msk $0xffff, v8  }
0x3b6: {  	[tilespmem:s0+$0x4080] =	vst.add.f32.msk $0xffff, v9  }
0x3b7: {  	[tilespmem:s0+$0x4090] =	vst.add.f32.msk $0xffff, v10  }
0x3b8: {  	[tilespmem:s0+$0x40A0] =	vst.add.f32.msk $0xffff, v11  }
0x3b9: {  	[tilespmem:s0+$0x40B0] =	vst.add.f32.msk $0xffff, v12  }
0x3ba: {  	[tilespmem:s0+$0x40C0] =	vst.add.f32.msk $0xffff, v13  }
0x3bb: {  	s2 =	simm.s32 $0x0;
	s3 =	simm.s32 $0x400;
	[tilespmem:s0+$0x40D0] =	vst.add.f32.msk $0xffff, v14  }
.LBB2_24:
0x3bc: {  	s2 =	sadd.s32 $0x10, s2;
	[tilespmem:s0+$0x40E0] =	vst.add.f32.msk $0xffff, v0;
	s0 =	sshra.s32 s3, $0x2  }
0x3bd: {  	v0 =	vld [tilespmem:s0+$0xC0F0];
	p0 =	slt.u32 s2, $0x3F0  }
0x3be: {  	v1 =	vld [tilespmem:s0+$0xC000]  }
0x3bf: {  	v2 =	vld [tilespmem:s0+$0xC010]  }
0x3c0: {  	v3 =	vld [tilespmem:s0+$0xC020]  }
0x3c1: {  	v4 =	vld [tilespmem:s0+$0xC030]  }
0x3c2: {  	[tilespmem:s0+$0x40F0] =	vst.add.f32.msk $0xffff, v0  }
0x3c3: {  	v5 =	vld [tilespmem:s0+$0xC040]  }
0x3c4: {  	v6 =	vld [tilespmem:s0+$0xC050]  }
0x3c5: {  	v7 =	vld [tilespmem:s0+$0xC060]  }
0x3c6: {  	v8 =	vld [tilespmem:s0+$0xC070]  }
0x3c7: {  	v9 =	vld [tilespmem:s0+$0xC080]  }
0x3c8: {  	v10 =	vld [tilespmem:s0+$0xC090]  }
0x3c9: {  	v11 =	vld [tilespmem:s0+$0xC0A0]  }
0x3ca: {  	v12 =	vld [tilespmem:s0+$0xC0B0]  }
0x3cb: {  	v13 =	vld [tilespmem:s0+$0xC0C0]  }
0x3cc: {  	v14 =	vld [tilespmem:s0+$0xC0D0]  }
0x3cd: {  	v0 =	vld [tilespmem:s0+$0xC0E0]  }
0x3ce: {  	[tilespmem:s0+$0x4000] =	vst.add.f32.msk $0xffff, v1  }
0x3cf: {  	[tilespmem:s0+$0x4010] =	vst.add.f32.msk $0xffff, v2  }
0x3d0: {  	[tilespmem:s0+$0x4020] =	vst.add.f32.msk $0xffff, v3  }
0x3d1: {  	[tilespmem:s0+$0x4030] =	vst.add.f32.msk $0xffff, v4  }
0x3d2: {  	[tilespmem:s0+$0x4040] =	vst.add.f32.msk $0xffff, v5  }
0x3d3: {  	[tilespmem:s0+$0x4050] =	vst.add.f32.msk $0xffff, v6  }
0x3d4: {  	[tilespmem:s0+$0x4060] =	vst.add.f32.msk $0xffff, v7  }
0x3d5: {  	[tilespmem:s0+$0x4070] =	vst.add.f32.msk $0xffff, v8  }
0x3d6: {  	[tilespmem:s0+$0x4080] =	vst.add.f32.msk $0xffff, v9  }
.Ltmp11:
0x3d7: {  	[tilespmem:s0+$0x4090] =	vst.add.f32.msk $0xffff, v10;
	(pc) =	sbr.rel @p0 .LBB2_24-.Ltmp11, $4  }
0x3d8: {  	[tilespmem:s0+$0x40A0] =	vst.add.f32.msk $0xffff, v11  }
0x3d9: {  	[tilespmem:s0+$0x40B0] =	vst.add.f32.msk $0xffff, v12  }
0x3da: {  	[tilespmem:s0+$0x40C0] =	vst.add.f32.msk $0xffff, v13  }
0x3db: {  	s3 =	sadd.s32 $0x400, s3;
	[tilespmem:s0+$0x40D0] =	vst.add.f32.msk $0xffff, v14  }
0x3dc: {  	[tilespmem:s0+$0x40E0] =	vst.add.f32.msk $0xffff, v0  }
0x3dd: {  	s0 =	simm.s32 $0x0;
	s2 =	rddreg [dreg:$0x18]  }
0x3de: {  	[hbm4b:s2+s0] =	stream.linear.scatter [tilespmem:s24], [sflag:$0x6], $0x4000, $0x38;
	[tilespmem:$0x10000] =	vst v63  }
0x3df: {  	_ =	swait.ge [sflag:s22], $0x4000  }
0x3e0: {  	[sflag:s22] =	ssyncset.done $0x0  }
0x3e1: {  	[sflag:s22] =	ssyncadd.s32 $0xFFFFC000  }
0x3e2: {  	_ =	swait.ge [sflag:s23], $0x4000  }
0x3e3: {  	[sflag:s23] =	ssyncset.done $0x0  }
0x3e4: {  	[sflag:s23] =	ssyncadd.s32 $0xFFFFC000  }
0x3e5: {  	_ =	swait.ge [sflag:s31], $0x4000  }
0x3e6: {  	[sflag:s31] =	ssyncset.done $0x0  }
0x3e7: {  	s3 =	rddreg [dreg:$0x1b];
	[sflag:s31] =	ssyncadd.s32 $0xFFFFC000  }
0x3e8: {  	[tilespmem:s24], [sflag:$0x2] =	stream.linear.gather [hbm4b:s3+s0], $0x4000, $0x38;
	[tilespmem:$0x10000] =	vst v63  }
0x3e9: {  	_ = 	snop  }
0x3ea: {  	[tilespmem:s25], [sflag:$0x4] =	stream.linear.gather [hbm4b:s17+s0], $0x4000, $0x38;
	[tilespmem:$0x10000] =	vst v63  }
0x3eb: {  	s0 =	simm.s32 $0x0  }
0x3ec: {  	v0 =	vld [tilespmem:s0+$0x80F0]  }
0x3ed: {  	v1 =	vld [tilespmem:s0+$0x8000]  }
0x3ee: {  	v2 =	vld [tilespmem:s0+$0x8010]  }
0x3ef: {  	v3 =	vld [tilespmem:s0+$0x8020]  }
0x3f0: {  	v4 =	vld [tilespmem:s0+$0x8030]  }
0x3f1: {  	v5 =	vld [tilespmem:s0+$0x8040]  }
0x3f2: {  	v6 =	vld [tilespmem:s0+$0x8050]  }
0x3f3: {  	v7 =	vld [tilespmem:s0+$0x8060]  }
0x3f4: {  	v8 =	vld [tilespmem:s0+$0x8070]  }
0x3f5: {  	v9 =	vld [tilespmem:s0+$0x8080]  }
0x3f6: {  	v10 =	vld [tilespmem:s0+$0x8090]  }
0x3f7: {  	v11 =	vld [tilespmem:s0+$0x80A0]  }
0x3f8: {  	v12 =	vld [tilespmem:s0+$0x80B0]  }
0x3f9: {  	v13 =	vld [tilespmem:s0+$0x80C0]  }
0x3fa: {  	v14 =	vld [tilespmem:s0+$0x80D0]  }
0x3fb: {  	[tilespmem:s0+$0xF0] =	vst.add.f32.msk $0xffff, v0  }
0x3fc: {  	v0 =	vld [tilespmem:s0+$0x80E0]  }
0x3fd: {  	[tilespmem:s0+$0x0] =	vst.add.f32.msk $0xffff, v1  }
0x3fe: {  	[tilespmem:s0+$0x10] =	vst.add.f32.msk $0xffff, v2  }
0x3ff: {  	[tilespmem:s0+$0x20] =	vst.add.f32.msk $0xffff, v3  }
0x400: {  	[tilespmem:s0+$0x30] =	vst.add.f32.msk $0xffff, v4  }
0x401: {  	[tilespmem:s0+$0x40] =	vst.add.f32.msk $0xffff, v5  }
0x402: {  	[tilespmem:s0+$0x50] =	vst.add.f32.msk $0xffff, v6  }
0x403: {  	[tilespmem:s0+$0x60] =	vst.add.f32.msk $0xffff, v7  }
0x404: {  	[tilespmem:s0+$0x70] =	vst.add.f32.msk $0xffff, v8  }
0x405: {  	[tilespmem:s0+$0x80] =	vst.add.f32.msk $0xffff, v9  }
0x406: {  	[tilespmem:s0+$0x90] =	vst.add.f32.msk $0xffff, v10  }
0x407: {  	[tilespmem:s0+$0xA0] =	vst.add.f32.msk $0xffff, v11  }
0x408: {  	[tilespmem:s0+$0xB0] =	vst.add.f32.msk $0xffff, v12  }
0x409: {  	[tilespmem:s0+$0xC0] =	vst.add.f32.msk $0xffff, v13  }
0x40a: {  	s2 =	simm.s32 $0x0;
	s3 =	simm.s32 $0x400;
	[tilespmem:s0+$0xD0] =	vst.add.f32.msk $0xffff, v14  }
.LBB2_26:
0x40b: {  	s2 =	sadd.s32 $0x10, s2;
	[tilespmem:s0+$0xE0] =	vst.add.f32.msk $0xffff, v0;
	s0 =	sshra.s32 s3, $0x2  }
0x40c: {  	v0 =	vld [tilespmem:s0+$0x80F0];
	p0 =	slt.u32 s2, $0x3F0  }
0x40d: {  	v1 =	vld [tilespmem:s0+$0x8000]  }
0x40e: {  	v2 =	vld [tilespmem:s0+$0x8010]  }
0x40f: {  	v3 =	vld [tilespmem:s0+$0x8020]  }
0x410: {  	v4 =	vld [tilespmem:s0+$0x8030]  }
0x411: {  	[tilespmem:s0+$0xF0] =	vst.add.f32.msk $0xffff, v0  }
0x412: {  	v5 =	vld [tilespmem:s0+$0x8040]  }
0x413: {  	v6 =	vld [tilespmem:s0+$0x8050]  }
0x414: {  	v7 =	vld [tilespmem:s0+$0x8060]  }
0x415: {  	v8 =	vld [tilespmem:s0+$0x8070]  }
0x416: {  	v9 =	vld [tilespmem:s0+$0x8080]  }
0x417: {  	v10 =	vld [tilespmem:s0+$0x8090]  }
0x418: {  	v11 =	vld [tilespmem:s0+$0x80A0]  }
0x419: {  	v12 =	vld [tilespmem:s0+$0x80B0]  }
0x41a: {  	v13 =	vld [tilespmem:s0+$0x80C0]  }
0x41b: {  	v14 =	vld [tilespmem:s0+$0x80D0]  }
0x41c: {  	v0 =	vld [tilespmem:s0+$0x80E0]  }
0x41d: {  	[tilespmem:s0+$0x0] =	vst.add.f32.msk $0xffff, v1  }
0x41e: {  	[tilespmem:s0+$0x10] =	vst.add.f32.msk $0xffff, v2  }
0x41f: {  	[tilespmem:s0+$0x20] =	vst.add.f32.msk $0xffff, v3  }
0x420: {  	[tilespmem:s0+$0x30] =	vst.add.f32.msk $0xffff, v4  }
0x421: {  	[tilespmem:s0+$0x40] =	vst.add.f32.msk $0xffff, v5  }
0x422: {  	[tilespmem:s0+$0x50] =	vst.add.f32.msk $0xffff, v6  }
0x423: {  	[tilespmem:s0+$0x60] =	vst.add.f32.msk $0xffff, v7  }
0x424: {  	[tilespmem:s0+$0x70] =	vst.add.f32.msk $0xffff, v8  }
0x425: {  	[tilespmem:s0+$0x80] =	vst.add.f32.msk $0xffff, v9  }
.Ltmp12:
0x426: {  	[tilespmem:s0+$0x90] =	vst.add.f32.msk $0xffff, v10;
	(pc) =	sbr.rel @p0 .LBB2_26-.Ltmp12, $4  }
0x427: {  	[tilespmem:s0+$0xA0] =	vst.add.f32.msk $0xffff, v11  }
0x428: {  	[tilespmem:s0+$0xB0] =	vst.add.f32.msk $0xffff, v12  }
0x429: {  	[tilespmem:s0+$0xC0] =	vst.add.f32.msk $0xffff, v13  }
0x42a: {  	s3 =	sadd.s32 $0x400, s3;
	[tilespmem:s0+$0xD0] =	vst.add.f32.msk $0xffff, v14  }
0x42b: {  	[tilespmem:s0+$0xE0] =	vst.add.f32.msk $0xffff, v0  }
0x42c: {  	s0 =	simm.s32 $0x0;
	s2 =	rddreg [dreg:$0x1a]  }
0x42d: {  	[hbm4b:s2+s0] =	stream.linear.scatter [tilespmem:s0], [sflag:$0x5], $0x4000, $0x38;
	[tilespmem:$0x10000] =	vst v63  }
0x42e: {  	_ =	swait.ge [sflag:s26], $0x4000  }
0x42f: {  	[sflag:s26] =	ssyncset.done $0x0  }
0x430: {  	[sflag:s26] =	ssyncadd.s32 $0xFFFFC000  }
0x431: {  	_ =	swait.ge [sflag:s28], $0x4000  }
0x432: {  	[sflag:s28] =	ssyncset.done $0x0  }
0x433: {  	[sflag:s28] =	ssyncadd.s32 $0xFFFFC000  }
0x434: {  	_ =	swait.ge [sflag:s30], $0x4000  }
0x435: {  	[sflag:s30] =	ssyncset.done $0x0  }
0x436: {  	s3 =	rddreg [dreg:$0x1f];
	[sflag:s30] =	ssyncadd.s32 $0xFFFFC000  }
0x437: {  	[tilespmem:s0], [sflag:$0x1] =	stream.linear.gather [hbm4b:s3+s0], $0x4000, $0x38;
	[tilespmem:$0x10000] =	vst v63  }
0x438: {  	_ = 	snop  }
0x439: {  	[tilespmem:s21], [sflag:$0x3] =	stream.linear.gather [hbm4b:s18+s0], $0x4000, $0x38;
	[tilespmem:$0x10000] =	vst v63  }
0x43a: {  	s0 =	simm.s32 $0x0  }
0x43b: {  	v0 =	vld [tilespmem:s0+$0xC0F0]  }
0x43c: {  	v1 =	vld [tilespmem:s0+$0xC000]  }
0x43d: {  	v2 =	vld [tilespmem:s0+$0xC010]  }
0x43e: {  	v3 =	vld [tilespmem:s0+$0xC020]  }
0x43f: {  	v4 =	vld [tilespmem:s0+$0xC030]  }
0x440: {  	v5 =	vld [tilespmem:s0+$0xC040]  }
0x441: {  	v6 =	vld [tilespmem:s0+$0xC050]  }
0x442: {  	v7 =	vld [tilespmem:s0+$0xC060]  }
0x443: {  	v8 =	vld [tilespmem:s0+$0xC070]  }
0x444: {  	v9 =	vld [tilespmem:s0+$0xC080]  }
0x445: {  	v10 =	vld [tilespmem:s0+$0xC090]  }
0x446: {  	v11 =	vld [tilespmem:s0+$0xC0A0]  }
0x447: {  	v12 =	vld [tilespmem:s0+$0xC0B0]  }
0x448: {  	v13 =	vld [tilespmem:s0+$0xC0C0]  }
0x449: {  	v14 =	vld [tilespmem:s0+$0xC0D0]  }
0x44a: {  	[tilespmem:s0+$0x40F0] =	vst.add.f32.msk $0xffff, v0  }
0x44b: {  	v0 =	vld [tilespmem:s0+$0xC0E0]  }
0x44c: {  	[tilespmem:s0+$0x4000] =	vst.add.f32.msk $0xffff, v1  }
0x44d: {  	[tilespmem:s0+$0x4010] =	vst.add.f32.msk $0xffff, v2  }
0x44e: {  	[tilespmem:s0+$0x4020] =	vst.add.f32.msk $0xffff, v3  }
0x44f: {  	[tilespmem:s0+$0x4030] =	vst.add.f32.msk $0xffff, v4  }
0x450: {  	[tilespmem:s0+$0x4040] =	vst.add.f32.msk $0xffff, v5  }
0x451: {  	[tilespmem:s0+$0x4050] =	vst.add.f32.msk $0xffff, v6  }
0x452: {  	[tilespmem:s0+$0x4060] =	vst.add.f32.msk $0xffff, v7  }
0x453: {  	[tilespmem:s0+$0x4070] =	vst.add.f32.msk $0xffff, v8  }
0x454: {  	[tilespmem:s0+$0x4080] =	vst.add.f32.msk $0xffff, v9  }
0x455: {  	[tilespmem:s0+$0x4090] =	vst.add.f32.msk $0xffff, v10  }
0x456: {  	[tilespmem:s0+$0x40A0] =	vst.add.f32.msk $0xffff, v11  }
0x457: {  	[tilespmem:s0+$0x40B0] =	vst.add.f32.msk $0xffff, v12  }
0x458: {  	[tilespmem:s0+$0x40C0] =	vst.add.f32.msk $0xffff, v13  }
0x459: {  	s2 =	simm.s32 $0x0;
	s3 =	simm.s32 $0x400;
	[tilespmem:s0+$0x40D0] =	vst.add.f32.msk $0xffff, v14  }
.LBB2_28:
0x45a: {  	s2 =	sadd.s32 $0x10, s2;
	[tilespmem:s0+$0x40E0] =	vst.add.f32.msk $0xffff, v0;
	s0 =	sshra.s32 s3, $0x2  }
0x45b: {  	v0 =	vld [tilespmem:s0+$0xC0F0];
	p0 =	slt.u32 s2, $0x3F0  }
0x45c: {  	v1 =	vld [tilespmem:s0+$0xC000]  }
0x45d: {  	v2 =	vld [tilespmem:s0+$0xC010]  }
0x45e: {  	v3 =	vld [tilespmem:s0+$0xC020]  }
0x45f: {  	v4 =	vld [tilespmem:s0+$0xC030]  }
0x460: {  	[tilespmem:s0+$0x40F0] =	vst.add.f32.msk $0xffff, v0  }
0x461: {  	v5 =	vld [tilespmem:s0+$0xC040]  }
0x462: {  	v6 =	vld [tilespmem:s0+$0xC050]  }
0x463: {  	v7 =	vld [tilespmem:s0+$0xC060]  }
0x464: {  	v8 =	vld [tilespmem:s0+$0xC070]  }
0x465: {  	v9 =	vld [tilespmem:s0+$0xC080]  }
0x466: {  	v10 =	vld [tilespmem:s0+$0xC090]  }
0x467: {  	v11 =	vld [tilespmem:s0+$0xC0A0]  }
0x468: {  	v12 =	vld [tilespmem:s0+$0xC0B0]  }
0x469: {  	v13 =	vld [tilespmem:s0+$0xC0C0]  }
0x46a: {  	v14 =	vld [tilespmem:s0+$0xC0D0]  }
0x46b: {  	v0 =	vld [tilespmem:s0+$0xC0E0]  }
0x46c: {  	[tilespmem:s0+$0x4000] =	vst.add.f32.msk $0xffff, v1  }
0x46d: {  	[tilespmem:s0+$0x4010] =	vst.add.f32.msk $0xffff, v2  }
0x46e: {  	[tilespmem:s0+$0x4020] =	vst.add.f32.msk $0xffff, v3  }
0x46f: {  	[tilespmem:s0+$0x4030] =	vst.add.f32.msk $0xffff, v4  }
0x470: {  	[tilespmem:s0+$0x4040] =	vst.add.f32.msk $0xffff, v5  }
0x471: {  	[tilespmem:s0+$0x4050] =	vst.add.f32.msk $0xffff, v6  }
0x472: {  	[tilespmem:s0+$0x4060] =	vst.add.f32.msk $0xffff, v7  }
0x473: {  	[tilespmem:s0+$0x4070] =	vst.add.f32.msk $0xffff, v8  }
0x474: {  	[tilespmem:s0+$0x4080] =	vst.add.f32.msk $0xffff, v9  }
.Ltmp13:
0x475: {  	[tilespmem:s0+$0x4090] =	vst.add.f32.msk $0xffff, v10;
	(pc) =	sbr.rel @p0 .LBB2_28-.Ltmp13, $4  }
0x476: {  	[tilespmem:s0+$0x40A0] =	vst.add.f32.msk $0xffff, v11  }
0x477: {  	[tilespmem:s0+$0x40B0] =	vst.add.f32.msk $0xffff, v12  }
0x478: {  	[tilespmem:s0+$0x40C0] =	vst.add.f32.msk $0xffff, v13  }
0x479: {  	s3 =	sadd.s32 $0x400, s3;
	[tilespmem:s0+$0x40D0] =	vst.add.f32.msk $0xffff, v14  }
0x47a: {  	[tilespmem:s0+$0x40E0] =	vst.add.f32.msk $0xffff, v0  }
0x47b: {  	s0 =	simm.s32 $0x0;
	s2 =	rddreg [dreg:$0x1c]  }
0x47c: {  	[hbm4b:s2+s0] =	stream.linear.scatter [tilespmem:s24], [sflag:$0x6], $0x4000, $0x38;
	[tilespmem:$0x10000] =	vst v63  }
0x47d: {  	_ =	swait.ge [sflag:s22], $0x4000  }
0x47e: {  	[sflag:s22] =	ssyncset.done $0x0  }
0x47f: {  	[sflag:s22] =	ssyncadd.s32 $0xFFFFC000  }
0x480: {  	_ =	swait.ge [sflag:s23], $0x4000  }
0x481: {  	[sflag:s23] =	ssyncset.done $0x0  }
0x482: {  	[sflag:s23] =	ssyncadd.s32 $0xFFFFC000  }
0x483: {  	_ =	swait.ge [sflag:s31], $0x4000  }
0x484: {  	s3 =	sld [smem:$0x7FB]  }
0x485: {  	[sflag:s31] =	ssyncset.done $0x0  }
0x486: {  	[sflag:s31] =	ssyncadd.s32 $0xFFFFC000  }
0x487: {  	[tilespmem:s24], [sflag:$0x2] =	stream.linear.gather [hbm4b:s3+s0], $0x4000, $0x38;
	[tilespmem:$0x10000] =	vst v63  }
0x488: {  	_ = 	snop  }
0x489: {  	[tilespmem:s25], [sflag:$0x4] =	stream.linear.gather [hbm4b:s19+s0], $0x4000, $0x38;
	[tilespmem:$0x10000] =	vst v63  }
0x48a: {  	s0 =	simm.s32 $0x0  }
0x48b: {  	v0 =	vld [tilespmem:s0+$0x80F0]  }
0x48c: {  	v1 =	vld [tilespmem:s0+$0x8000]  }
0x48d: {  	v2 =	vld [tilespmem:s0+$0x8010]  }
0x48e: {  	v3 =	vld [tilespmem:s0+$0x8020]  }
0x48f: {  	v4 =	vld [tilespmem:s0+$0x8030]  }
0x490: {  	v5 =	vld [tilespmem:s0+$0x8040]  }
0x491: {  	v6 =	vld [tilespmem:s0+$0x8050]  }
0x492: {  	v7 =	vld [tilespmem:s0+$0x8060]  }
0x493: {  	v8 =	vld [tilespmem:s0+$0x8070]  }
0x494: {  	v9 =	vld [tilespmem:s0+$0x8080]  }
0x495: {  	v10 =	vld [tilespmem:s0+$0x8090]  }
0x496: {  	v11 =	vld [tilespmem:s0+$0x80A0]  }
0x497: {  	v12 =	vld [tilespmem:s0+$0x80B0]  }
0x498: {  	v13 =	vld [tilespmem:s0+$0x80C0]  }
0x499: {  	v14 =	vld [tilespmem:s0+$0x80D0]  }
0x49a: {  	[tilespmem:s0+$0xF0] =	vst.add.f32.msk $0xffff, v0  }
0x49b: {  	v0 =	vld [tilespmem:s0+$0x80E0]  }
0x49c: {  	[tilespmem:s0+$0x0] =	vst.add.f32.msk $0xffff, v1  }
0x49d: {  	[tilespmem:s0+$0x10] =	vst.add.f32.msk $0xffff, v2  }
0x49e: {  	[tilespmem:s0+$0x20] =	vst.add.f32.msk $0xffff, v3  }
0x49f: {  	[tilespmem:s0+$0x30] =	vst.add.f32.msk $0xffff, v4  }
0x4a0: {  	[tilespmem:s0+$0x40] =	vst.add.f32.msk $0xffff, v5  }
0x4a1: {  	[tilespmem:s0+$0x50] =	vst.add.f32.msk $0xffff, v6  }
0x4a2: {  	[tilespmem:s0+$0x60] =	vst.add.f32.msk $0xffff, v7  }
0x4a3: {  	[tilespmem:s0+$0x70] =	vst.add.f32.msk $0xffff, v8  }
0x4a4: {  	[tilespmem:s0+$0x80] =	vst.add.f32.msk $0xffff, v9  }
0x4a5: {  	[tilespmem:s0+$0x90] =	vst.add.f32.msk $0xffff, v10  }
0x4a6: {  	[tilespmem:s0+$0xA0] =	vst.add.f32.msk $0xffff, v11  }
0x4a7: {  	[tilespmem:s0+$0xB0] =	vst.add.f32.msk $0xffff, v12  }
0x4a8: {  	[tilespmem:s0+$0xC0] =	vst.add.f32.msk $0xffff, v13  }
0x4a9: {  	s2 =	simm.s32 $0x0;
	s3 =	simm.s32 $0x400;
	[tilespmem:s0+$0xD0] =	vst.add.f32.msk $0xffff, v14  }
.LBB2_30:
0x4aa: {  	s2 =	sadd.s32 $0x10, s2;
	[tilespmem:s0+$0xE0] =	vst.add.f32.msk $0xffff, v0;
	s0 =	sshra.s32 s3, $0x2  }
0x4ab: {  	v0 =	vld [tilespmem:s0+$0x80F0];
	p0 =	slt.u32 s2, $0x3F0  }
0x4ac: {  	v1 =	vld [tilespmem:s0+$0x8000]  }
0x4ad: {  	v2 =	vld [tilespmem:s0+$0x8010]  }
0x4ae: {  	v3 =	vld [tilespmem:s0+$0x8020]  }
0x4af: {  	v4 =	vld [tilespmem:s0+$0x8030]  }
0x4b0: {  	[tilespmem:s0+$0xF0] =	vst.add.f32.msk $0xffff, v0  }
0x4b1: {  	v5 =	vld [tilespmem:s0+$0x8040]  }
0x4b2: {  	v6 =	vld [tilespmem:s0+$0x8050]  }
0x4b3: {  	v7 =	vld [tilespmem:s0+$0x8060]  }
0x4b4: {  	v8 =	vld [tilespmem:s0+$0x8070]  }
0x4b5: {  	v9 =	vld [tilespmem:s0+$0x8080]  }
0x4b6: {  	v10 =	vld [tilespmem:s0+$0x8090]  }
0x4b7: {  	v11 =	vld [tilespmem:s0+$0x80A0]  }
0x4b8: {  	v12 =	vld [tilespmem:s0+$0x80B0]  }
0x4b9: {  	v13 =	vld [tilespmem:s0+$0x80C0]  }
0x4ba: {  	v14 =	vld [tilespmem:s0+$0x80D0]  }
0x4bb: {  	v0 =	vld [tilespmem:s0+$0x80E0]  }
0x4bc: {  	[tilespmem:s0+$0x0] =	vst.add.f32.msk $0xffff, v1  }
0x4bd: {  	[tilespmem:s0+$0x10] =	vst.add.f32.msk $0xffff, v2  }
0x4be: {  	[tilespmem:s0+$0x20] =	vst.add.f32.msk $0xffff, v3  }
0x4bf: {  	[tilespmem:s0+$0x30] =	vst.add.f32.msk $0xffff, v4  }
0x4c0: {  	[tilespmem:s0+$0x40] =	vst.add.f32.msk $0xffff, v5  }
0x4c1: {  	[tilespmem:s0+$0x50] =	vst.add.f32.msk $0xffff, v6  }
0x4c2: {  	[tilespmem:s0+$0x60] =	vst.add.f32.msk $0xffff, v7  }
0x4c3: {  	[tilespmem:s0+$0x70] =	vst.add.f32.msk $0xffff, v8  }
0x4c4: {  	[tilespmem:s0+$0x80] =	vst.add.f32.msk $0xffff, v9  }
.Ltmp14:
0x4c5: {  	[tilespmem:s0+$0x90] =	vst.add.f32.msk $0xffff, v10;
	(pc) =	sbr.rel @p0 .LBB2_30-.Ltmp14, $4  }
0x4c6: {  	[tilespmem:s0+$0xA0] =	vst.add.f32.msk $0xffff, v11  }
0x4c7: {  	[tilespmem:s0+$0xB0] =	vst.add.f32.msk $0xffff, v12  }
0x4c8: {  	[tilespmem:s0+$0xC0] =	vst.add.f32.msk $0xffff, v13  }
0x4c9: {  	s3 =	sadd.s32 $0x400, s3;
	[tilespmem:s0+$0xD0] =	vst.add.f32.msk $0xffff, v14  }
0x4ca: {  	[tilespmem:s0+$0xE0] =	vst.add.f32.msk $0xffff, v0  }
0x4cb: {  	s2 =	sld [smem:$0x7FC];
	_ =	sdelay $0x1  }
0x4cc: {  	s3 =	simm.s32 $0x0  }
0x4cd: {  	[hbm4b:s2+s3] =	stream.linear.scatter [tilespmem:s3], [sflag:$0x5], $0x4000, $0x38;
	[tilespmem:$0x10000] =	vst v63  }
0x4ce: {  	_ =	swait.ge [sflag:s26], $0x4000  }
0x4cf: {  	[sflag:s26] =	ssyncset.done $0x0  }
0x4d0: {  	[sflag:s26] =	ssyncadd.s32 $0xFFFFC000  }
0x4d1: {  	_ =	swait.ge [sflag:s28], $0x4000  }
0x4d2: {  	[sflag:s28] =	ssyncset.done $0x0  }
0x4d3: {  	[sflag:s28] =	ssyncadd.s32 $0xFFFFC000  }
0x4d4: {  	_ =	swait.ge [sflag:s30], $0x4000  }
0x4d5: {  	[sflag:s30] =	ssyncset.done $0x0  }
0x4d6: {  	s0 =	simm.s32 $0x0;
	[sflag:s30] =	ssyncadd.s32 $0xFFFFC000  }
0x4d7: {  	v0 =	vld [tilespmem:s0+$0xC0F0]  }
0x4d8: {  	v1 =	vld [tilespmem:s0+$0xC000]  }
0x4d9: {  	v2 =	vld [tilespmem:s0+$0xC010]  }
0x4da: {  	v3 =	vld [tilespmem:s0+$0xC020]  }
0x4db: {  	v4 =	vld [tilespmem:s0+$0xC030]  }
0x4dc: {  	v5 =	vld [tilespmem:s0+$0xC040]  }
0x4dd: {  	v6 =	vld [tilespmem:s0+$0xC050]  }
0x4de: {  	v7 =	vld [tilespmem:s0+$0xC060]  }
0x4df: {  	v8 =	vld [tilespmem:s0+$0xC070]  }
0x4e0: {  	v9 =	vld [tilespmem:s0+$0xC080]  }
0x4e1: {  	v10 =	vld [tilespmem:s0+$0xC090]  }
0x4e2: {  	v11 =	vld [tilespmem:s0+$0xC0A0]  }
0x4e3: {  	v12 =	vld [tilespmem:s0+$0xC0B0]  }
0x4e4: {  	v13 =	vld [tilespmem:s0+$0xC0C0]  }
0x4e5: {  	v14 =	vld [tilespmem:s0+$0xC0D0]  }
0x4e6: {  	[tilespmem:s0+$0x40F0] =	vst.add.f32.msk $0xffff, v0  }
0x4e7: {  	v0 =	vld [tilespmem:s0+$0xC0E0]  }
0x4e8: {  	[tilespmem:s0+$0x4000] =	vst.add.f32.msk $0xffff, v1  }
0x4e9: {  	[tilespmem:s0+$0x4010] =	vst.add.f32.msk $0xffff, v2  }
0x4ea: {  	[tilespmem:s0+$0x4020] =	vst.add.f32.msk $0xffff, v3  }
0x4eb: {  	[tilespmem:s0+$0x4030] =	vst.add.f32.msk $0xffff, v4  }
0x4ec: {  	[tilespmem:s0+$0x4040] =	vst.add.f32.msk $0xffff, v5  }
0x4ed: {  	[tilespmem:s0+$0x4050] =	vst.add.f32.msk $0xffff, v6  }
0x4ee: {  	[tilespmem:s0+$0x4060] =	vst.add.f32.msk $0xffff, v7  }
0x4ef: {  	[tilespmem:s0+$0x4070] =	vst.add.f32.msk $0xffff, v8  }
0x4f0: {  	[tilespmem:s0+$0x4080] =	vst.add.f32.msk $0xffff, v9  }
0x4f1: {  	[tilespmem:s0+$0x4090] =	vst.add.f32.msk $0xffff, v10  }
0x4f2: {  	[tilespmem:s0+$0x40A0] =	vst.add.f32.msk $0xffff, v11  }
0x4f3: {  	[tilespmem:s0+$0x40B0] =	vst.add.f32.msk $0xffff, v12  }
0x4f4: {  	[tilespmem:s0+$0x40C0] =	vst.add.f32.msk $0xffff, v13  }
0x4f5: {  	s2 =	simm.s32 $0x0;
	s3 =	simm.s32 $0x400;
	[tilespmem:s0+$0x40D0] =	vst.add.f32.msk $0xffff, v14  }
.LBB2_32:
0x4f6: {  	s2 =	sadd.s32 $0x10, s2;
	[tilespmem:s0+$0x40E0] =	vst.add.f32.msk $0xffff, v0;
	s0 =	sshra.s32 s3, $0x2  }
0x4f7: {  	v0 =	vld [tilespmem:s0+$0xC0F0];
	p0 =	slt.u32 s2, $0x3F0  }
0x4f8: {  	v1 =	vld [tilespmem:s0+$0xC000]  }
0x4f9: {  	v2 =	vld [tilespmem:s0+$0xC010]  }
0x4fa: {  	v3 =	vld [tilespmem:s0+$0xC020]  }
0x4fb: {  	v4 =	vld [tilespmem:s0+$0xC030]  }
0x4fc: {  	[tilespmem:s0+$0x40F0] =	vst.add.f32.msk $0xffff, v0  }
0x4fd: {  	v5 =	vld [tilespmem:s0+$0xC040]  }
0x4fe: {  	v6 =	vld [tilespmem:s0+$0xC050]  }
0x4ff: {  	v7 =	vld [tilespmem:s0+$0xC060]  }
0x500: {  	v8 =	vld [tilespmem:s0+$0xC070]  }
0x501: {  	v9 =	vld [tilespmem:s0+$0xC080]  }
0x502: {  	v10 =	vld [tilespmem:s0+$0xC090]  }
0x503: {  	v11 =	vld [tilespmem:s0+$0xC0A0]  }
0x504: {  	v12 =	vld [tilespmem:s0+$0xC0B0]  }
0x505: {  	v13 =	vld [tilespmem:s0+$0xC0C0]  }
0x506: {  	v14 =	vld [tilespmem:s0+$0xC0D0]  }
0x507: {  	v0 =	vld [tilespmem:s0+$0xC0E0]  }
0x508: {  	[tilespmem:s0+$0x4000] =	vst.add.f32.msk $0xffff, v1  }
0x509: {  	[tilespmem:s0+$0x4010] =	vst.add.f32.msk $0xffff, v2  }
0x50a: {  	[tilespmem:s0+$0x4020] =	vst.add.f32.msk $0xffff, v3  }
0x50b: {  	[tilespmem:s0+$0x4030] =	vst.add.f32.msk $0xffff, v4  }
0x50c: {  	[tilespmem:s0+$0x4040] =	vst.add.f32.msk $0xffff, v5  }
0x50d: {  	[tilespmem:s0+$0x4050] =	vst.add.f32.msk $0xffff, v6  }
0x50e: {  	[tilespmem:s0+$0x4060] =	vst.add.f32.msk $0xffff, v7  }
0x50f: {  	[tilespmem:s0+$0x4070] =	vst.add.f32.msk $0xffff, v8  }
0x510: {  	[tilespmem:s0+$0x4080] =	vst.add.f32.msk $0xffff, v9  }
.Ltmp15:
0x511: {  	[tilespmem:s0+$0x4090] =	vst.add.f32.msk $0xffff, v10;
	(pc) =	sbr.rel @p0 .LBB2_32-.Ltmp15, $4  }
0x512: {  	[tilespmem:s0+$0x40A0] =	vst.add.f32.msk $0xffff, v11  }
0x513: {  	[tilespmem:s0+$0x40B0] =	vst.add.f32.msk $0xffff, v12  }
0x514: {  	[tilespmem:s0+$0x40C0] =	vst.add.f32.msk $0xffff, v13  }
0x515: {  	s3 =	sadd.s32 $0x400, s3;
	[tilespmem:s0+$0x40D0] =	vst.add.f32.msk $0xffff, v14  }
0x516: {  	[tilespmem:s0+$0x40E0] =	vst.add.f32.msk $0xffff, v0  }
0x517: {  	s29 =	sadd.s32 $0x1, s29;
	s0 =	sld [smem:$0x7FD]  }
0x518: {  	p0 =	sne.s32 s29, s20  }
.Ltmp16:
0x519: {  	_ = 	snop;
	(pc) =	sbr.rel @p0 .LBB2_1-.Ltmp16, $4  }
0x51a: {  	[hbm4b:s0+s1] =	stream.linear.scatter [tilespmem:s24], [sflag:$0x6], $0x4000, $0x38;
	[tilespmem:$0x10000] =	vst v63  }
0x51b: {  	_ =	swait.ge [sflag:s31], $0x4000  }
0x51c: {  	[sflag:s31] =	ssyncset.done $0x0  }
0x51d: {  	[sflag:s31] =	ssyncadd.s32 $0xFFFFC000  }
0x51e: {  	_ =	sfence.sel $0x180000  }
0x51f: {  	[bflag:$0x0] =	sbarrier.arrive $0xFFFF  }
0x520: {  	_ =	strace $0x9000004A  }
0x521: {  	s0 =	stileid.u32;
	[bflag:$0x2] =	sbarrier.arrive $0xFFFF  }
0x522: {  	p0 =	sne.s32 s0, $0x0;
	s0 =	rddreg [dreg:$0x2]  }
0x523: {  	s0 =	sadd.s32 @!p0 $0x100000, s0  }
0x524: {  	[sflag:s0] =	ssyncadd.tile.s32 @!p0 $0x1;
	_ =	shalt  }
.Lfunc_end2:
_tile_overlayer_lowered:
.L_overlay_start_2:
0x525: {  	(tag) =	ssettag $0x2  }
0x526: {  	s0 =	rddreg [dreg:$0x0];
	s2 =	stileid.u32  }
0x527: {  	s1 =	rddreg [dreg:$0x1];
	p0 =	sne.s32 s2, $0x0  }
0x528: {  	s3 =	rddreg [dreg:$0x2];
	[bflag:$0x3] =	sbarrier.arrive $0xFFFF;
	s2 =	simm.s32 @!p0 $0x1C07  }
0x529: {  	[timem:s3], [sflag:s2] =	dma.local @!p0 [hbm:s0], s1  }
0x52a: {  	s0 =	simm.s32 @!p0 $0x7  }
0x52b: {  	_ =	swait.ge @!p0 [sflag:s0], s1  }
0x52c: {  	s1 =	ssub.s32 @!p0 $0x0, s1;
	[sflag:s0] =	ssyncset.done @!p0 $0x0  }
0x52d: {  	[sflag:s0] =	ssyncadd.s32 @!p0 s1  }
0x52e: {  	[bflag:$0x3] =	sbarrier.arrive $0xFFFF  }
0x52f: {  	_ =	shalt  }

// kernel: sparse-core-data-format-call.cloned.1.call-start
scs
called_computation_lowered:
.L_overlay_start_0:
0x0: {  	s2 =	sld [smem:$0x3FD9]  }
0x1: {  	s3 =	sld [smem:$0x3FFE];
	_ =	sdelay $0x1  }
0x2: {  	s1 =	srdreg.scid  }
0x3: {  	s0 =	sand.u32 $0x1, s1  }
0x4: {  	s19 =	sshll.u32 s0, $0xA;
	s2 =	sadd.s32 s3, s2  }
0x5: {  	s2 =	sadd.s32 s2, s19  }
0x6: {  	[smem:$0x3FC6] =	sst s2  }
0x7: {  	_ = 	snop  }
0x8: {  	s2 =	sld [smem:$0x3FC9]  }
0x9: {  	s20 =	sld [smem:$0x3FD0];
	(tm) =	ssettm $0x1  }
0xa: {  	s4 =	sld [smem:$0x3FFB];
	_ =	sdelay $0x3  }
0xb: {  	_ =	strace s4  }
0xc: {  	s4 =	sld [smem:$0x3FFC];
	_ =	sdelay $0x3  }
0xd: {  	_ =	strace s4  }
0xe: {  	s4 =	sld [smem:$0x3FFD];
	_ =	sdelay $0x3  }
0xf: {  	_ =	strace s4  }
0x10: {  	_ =	strace $0x8FFFFFFF  }
0x11: {  	s21 =	sld [smem:$0x3FDB];
	_ =	sdelay $0x1  }
0x12: {  	s5 =	simm.s32 $_scs_section_size  }
0x13: {  	s6 =	simm.s32 $_size__tile_overlayer_lowered;
	s7 =	simm.s32 $_tile_overlayer_lowered  }
0x14: {  	s24 =	simm.s32 $0x1BFF;
	s23 =	sshll.u32 s7, $0x1;
	s4 =	sadd.s32 s5, s21  }
0x15: {  	s8 =	simm.s32 $0x0;
	s22 =	sshll.u32 s6, $0x1;
	s6 =	sadd.s32 s23, s4  }
0x16: {  	[timem:s8], [sflag:s24] =	dma.local [hbm:s6], s22  }
0x17: {  	_ =	swait.ge [sflag:s24], s22  }
0x18: {  	s5 =	ssub.s32 $0x0, s22;
	[sflag:s24] =	ssyncset.done $0x0  }
0x19: {  	[sflag:s24] =	ssyncadd.s32 s5;
	_ =	sdelay $0x1  }
0x1a: {  	s25 =	simm.s32 $0x1B8B  }
0x1b: {  	_ =	swait.ge [sflag:s25], $0x1  }
0x1c: {  	[sflag:s25] =	ssyncset.done $0x0  }
0x1d: {  	s26 =	simm.s32 $0x1B8E;
	[sflag:s25] =	ssyncadd.s32 $0xFFFFFFFF  }
0x1e: {  	s27 =	simm.s32 $execute0_lowered;
	[smem:$0x3FD2] =	sst s26  }
0x1f: {  	s5 =	sshll.u32 s27, $0x1;
	_ =	strace $0x80000046;
	[dreg:$0x1] =	wrdreg $0xFFFFFFFF  }
0x20: {  	s28 =	simm.s32 $_size_execute0_lowered;
	s4 =	sadd.s32 s4, s5;
	[dreg:$0x0] =	wrdreg $0x0  }
0x21: {  	s5 =	sshll.u32 s28, $0x1;
	[dreg:$0x2] =	wrdreg s4  }
0x22: {  	[dreg:$0x3] =	wrdreg s5  }
0x23: {  	[dreg:$0x4] =	wrdreg $0xC0  }
0x24: {  	_ =	task [dreg:s8], $0x5FFFF  }
0x25: {  	[dreg:$0x1] =	wrdreg $0xFFFFFFFF  }
0x26: {  	[dreg:$0x0] =	wrdreg $0x60  }
0x27: {  	[dreg:$0x2] =	wrdreg s2  }
0x28: {  	[dreg:$0x3] =	wrdreg s20  }
0x29: {  	[dreg:$0x4] =	wrdreg $0x9  }
0x2a: {  	_ =	task.clear_ibuf [dreg:s8], $0x5FFFF;
	_ =	strace $0x90000046  }
0x2b: {  	s29 =	simm.s32 $0x9;
	_ =	strace $0x80000048  }
0x2c: {  	_ =	swait.ge [sflag:s29], $0x1  }
0x2d: {  	[sflag:s29] =	ssyncadd.s32 $0xFFFFFFFF  }
0x2e: {  	_ =	strace $0x90000048  }
0x2f: {  	_ =	sfence  }
0x30: {  	s30 =	sld [smem:$0x0];
	_ =	sdelay $0x2  }
0x31: {  	s31 =	sshll.u32 s1, $0xD;
	s1 =	sshrl.u32 s1, $0x2  }
0x32: {  	s3 =	sand.u32 $0x4000, s31;
	s1 =	sadd.s32 s1, s30  }
0x33: {  	s0 =	sor.u32 s3, s0;
	s1 =	sshll.u32 s1, $0x11  }
0x34: {  	s0 =	sor.u32 s1, s0  }
0x35: {  	s0 =	sadd.s32 $0x8F2B, s0  }
0x36: {  	[sflag:s0] =	ssyncadd.remote.s32 $0x1  }
0x37: {  	_ =	sfence.sel $0xFFFF  }
0x38: {  	[dreg:$0x0] =	wrdreg $0xFFFFFFFF;
	(pc) =	sbr.abs _section_cstart, $3  }
0x39: {  	[dreg:$0x1] =	wrdreg $0xFFFFFFFF  }
0x3a: {  	_ =	task.clear_ibuf [dreg:s8], $0x2FFFF;
	_ =	strace $0x9FFFFFFF  }
0x3b: {  	(tm) =	ssettm $0x7FFFFFFF  }
tec
execute0_lowered:
.L_overlay_start_1:
0x0: {  	(tag) =	ssettag $0x1  }
0x1: {  	s0 =	srdreg.scid  }
0x2: {  	s1 =	sshll.u32 s0, $0x4  }
0x3: {  	s2 =	rddreg [dreg:$0x0];
	s0 =	stileid.u32;
	s1 =	sand.u32 $0x10, s1  }
0x4: {  	s4 =	rddreg [dreg:$0x1];
	s1 =	sor.u32 s0, s1  }
0x5: {  	s7 =	simm.s32 $0x1;
	s8 =	simm.s32 $0x2;
	s3 =	sshll.u32 s1, $0x1  }
0x6: {  	s9 =	simm.s32 $0x0;
	s12 =	simm.s32 $0x0;
	s6 =	ssub.s32 $0x400, s3  }
.Ltmp0:
0x7: {  	s11 =	simm.s32 $0x0;
	s5 =	sand.u32 $0x3E, s6;
	(pc) =	sbr.rel .LBB1_1-.Ltmp0, $4  }
0x8: {  	s1 =	rddreg [dreg:$0x2];
	_ =	strace $0x80000047;
	p0 =	sne.s32 s5, $0x0  }
0x9: {  	s6 =	sshrl.u32 s6, $0x6;
	s5 =	simm.s32 $0x1;
	s7 =	simm.s32 @!p0 $0x0  }
0xa: {  	s10 =	smov.u32 s3;
	[sflag:s5] =	ssyncpa.u1 $0x0;
	s6 =	sadd.s32 s7, s6  }
0xb: {  	[sflag:s8] =	ssyncpa.u1 $0x0;
	s8 =	simm.s32 $0x0;
	s7 =	sadd.s32 $0x1, s6  }
.LBB1_9:
0xc: {  	s14 =	sadd.s32 $0x40, s10  }
0xd: {  	p1 =	sgt.s32 s14, $0x3FF  }
0xe: {  	s14 =	smov.u32 @p1 s3;
	p1 =	sne.s32 s11, s7  }
.Ltmp1:
0xf: {  	p0 =	slt.u32 s11, $0x2;
	(pc) =	sbr.rel @!p1 .LBB1_10-.Ltmp1, $4  }
0x10: {  	s13 =	simm.s32 @!p0 $0x2  }
0x11: {  	s15 =	sadd.s32 $0x1, s11;
	_ =	swait.ge @!p0 [sflag:s13], $0x4000  }
0x12: {  	s12 =	smov.u32 s10;
	s9 =	sadd.s32 $0x4000, s9;
	[sflag:s13] =	ssyncset.done @!p0 $0x0  }
0x13: {  	s11 =	smov.u32 s15;
	s10 =	smov.u32 s14;
	[sflag:s13] =	ssyncadd.s32 @!p0 $0xFFFFC000  }
.LBB1_1:
0x14: {  	p0 =	sge.u32 s11, s6  }
0x15: {  	s13 =	sxor.u32 @!p0 $0xFFFFFFFF, s11  }
0x16: {  	s31 =	sadd.s32 $0xFFFFFFFF, s11;
	s14 =	sshll.u32 @!p0 s10, $0xA;
	s13 =	sshll.u32 @!p0 s13, $0xE  }
0x17: {  	s15 =	simm.s32 @!p0 $0x0;
	s14 =	sadd.s32 @!p0 s2, s14;
	s13 =	sand.u32 @!p0 $0x4000, s13  }
0x18: {  	[tilespmem:s13], [sflag:$0x1] =	stream.linear.gather @!p0 [hbm4b:s14+s15], $0x4000, $0x38;
	[tilespmem:$0x10000] =	vst v63  }
0x19: {  	p0 =	sge.u32 s31, s6  }
.Ltmp2:
0x1a: {  	_ = 	snop;
	(pc) =	sbr.rel @p0 .LBB1_9-.Ltmp2, $1  }
0x1b: {  	_ =	sdelay $0x3  }
0x1c: {  	s13 =	sshll.u32 s9, $0x2  }
0x1d: {  	_ =	swait.ge [sflag:s5], $0x4000;
	s14 =	sshll.u32 s11, $0xE;
	s16 =	simm.s32 $0x0  }
0x1e: {  	p1 =	por $0x1, $0x1;
	s13 =	sand.u32 $0x10000, s13;
	[sflag:s5] =	ssyncset.done $0x0  }
0x1f: {  	s14 =	sand.u32 $0x4000, s14;
	s15 =	sshrl.u32 s13, $0x2;
	[sflag:s5] =	ssyncadd.s32 $0xFFFFC000  }
0x20: {  	s13 =	sor.u32 $0x8000, s14;
	s14 =	sadd.s32 $0x8040, s15;
	s15 =	sadd.s32 $0x40, s15  }
.LBB1_3:
0x21: {  	s16 =	sshll.u32 s16, $0x2  }
0x22: {  	p0 =	por p1, p1;
	s17 =	sshra.s32 s16, $0x2  }
0x23: {  	s18 =	simm.s32 $0x0;
	s16 =	sadd.s32 s17, s14;
	s17 =	sadd.s32 s17, s15  }
.LBB1_4:
0x24: {  	v0 =	vmov s17;
	_ =	sdelay $0x3  }
0x25: {  	s20 =	simm.s32 $0x0  }
0x26: {  	v6 =	vld.idx.msk [tilespmem:v0+s20+$0x30 ss:$0x1], $0xffff  }
0x27: {  	v7 =	vld.idx.msk [tilespmem:v0+s20+$0xFFFFFFC0 ss:$0x1], $0xffff  }
0x28: {  	v5 =	vld.idx.msk [tilespmem:v0+s20+$0xFFFFFFD0 ss:$0x1], $0xffff  }
0x29: {  	v4 =	vld.idx.msk [tilespmem:v0+s20+$0xFFFFFFE0 ss:$0x1], $0xffff  }
0x2a: {  	v3 =	vld.idx.msk [tilespmem:v0+s20+$0xFFFFFFF0 ss:$0x1], $0xffff  }
0x2b: {  	v1 =	vld.idx.msk [tilespmem:v0+s20+$0x0 ss:$0x1], $0xffff  }
0x2c: {  	v2 =	vld.idx.msk [tilespmem:v0+s20+$0x10 ss:$0x1], $0xffff;
	[tilespmem:s16+$0x30] =	vst v6  }
0x2d: {  	s19 =	simm.s32 $0x80;
	s21 =	simm.s32 $0x400;
	[tilespmem:s16+$0xFFFFFFC0] =	vst v7;
	v6 =	vld.idx.msk [tilespmem:v0+s20+$0x20 ss:$0x1], $0xffff;
	s20 =	smov.u32 s16  }
.LBB1_5:
0x2e: {  	p1 =	sne.s32 s21, $0xE00;
	v7 =	vld.idx.msk [tilespmem:v0+s19+$0x30 ss:$0x1], $0xffff;
	[tilespmem:s20+$0xFFFFFFD0] =	vst v5  }
0x2f: {  	v8 =	vld.idx.msk [tilespmem:v0+s19+$0xFFFFFFC0 ss:$0x1], $0xffff;
	[tilespmem:s20+$0xFFFFFFE0] =	vst v4  }
0x30: {  	v5 =	vld.idx.msk [tilespmem:v0+s19+$0xFFFFFFD0 ss:$0x1], $0xffff;
	[tilespmem:s20+$0xFFFFFFF0] =	vst v3  }
.Ltmp3:
0x31: {  	v4 =	vld.idx.msk [tilespmem:v0+s19+$0xFFFFFFE0 ss:$0x1], $0xffff;
	[tilespmem:s20+$0x0] =	vst v1;
	(pc) =	sbr.rel @p1 .LBB1_5-.Ltmp3, $4  }
0x32: {  	v3 =	vld.idx.msk [tilespmem:v0+s19+$0xFFFFFFF0 ss:$0x1], $0xffff;
	[tilespmem:s20+$0x10] =	vst v2  }
0x33: {  	v1 =	vld.idx.msk [tilespmem:v0+s19+$0x0 ss:$0x1], $0xffff;
	[tilespmem:s20+$0x20] =	vst v6;
	s20 =	sadd.s32 $0x400, s20  }
0x34: {  	v2 =	vld.idx.msk [tilespmem:v0+s19+$0x10 ss:$0x1], $0xffff;
	[tilespmem:s20+$0x30] =	vst v7  }
0x35: {  	[tilespmem:s20+$0xFFFFFFC0] =	vst v8;
	v6 =	vld.idx.msk [tilespmem:v0+s19+$0x20 ss:$0x1], $0xffff;
	s19 =	sshra.s32 s21, $0x2;
	s21 =	sadd.s32 $0x200, s21  }
0x36: {  	_ =	sdelay $0x2  }
0x37: {  	[tilespmem:s20+$0xFFFFFFD0] =	vst v5  }
0x38: {  	v56 =	vld.idx.msk [tilespmem:v0+s19+$0x30 ss:$0x1], $0xffff;
	[tilespmem:s20+$0xFFFFFFE0] =	vst v4  }
0x39: {  	v57 =	vld.idx.msk [tilespmem:v0+s19+$0xFFFFFFC0 ss:$0x1], $0xffff;
	[tilespmem:s20+$0xFFFFFFF0] =	vst v3  }
0x3a: {  	v58 =	vld.idx.msk [tilespmem:v0+s19+$0xFFFFFFD0 ss:$0x1], $0xffff;
	[tilespmem:s20+$0x0] =	vst v1  }
0x3b: {  	v59 =	vld.idx.msk [tilespmem:v0+s19+$0xFFFFFFE0 ss:$0x1], $0xffff;
	[tilespmem:s20+$0x10] =	vst v2  }
0x3c: {  	v60 =	vld.idx.msk [tilespmem:v0+s19+$0xFFFFFFF0 ss:$0x1], $0xffff;
	s31 =	sadd.s32 $0x400, s20;
	[tilespmem:s20+$0x20] =	vst v6  }
0x3d: {  	v61 =	vld.idx.msk [tilespmem:v0+s19+$0x0 ss:$0x1], $0xffff;
	[tilespmem:s31+$0x30] =	vst v56  }
0x3e: {  	v62 =	vld.idx.msk [tilespmem:v0+s19+$0x10 ss:$0x1], $0xffff;
	s18 =	sadd.s32 $0x1, s18;
	[tilespmem:s31+$0xFFFFFFC0] =	vst v57  }
0x3f: {  	v63 =	vld.idx.msk [tilespmem:v0+s19+$0x20 ss:$0x1], $0xffff;
	p1 =	sne.s32 s18, $0x8;
	[tilespmem:s31+$0xFFFFFFD0] =	vst v58  }
.Ltmp4:
0x40: {  	[tilespmem:s31+$0xFFFFFFE0] =	vst v59;
	(pc) =	sbr.rel @p1 .LBB1_4-.Ltmp4, $4  }
0x41: {  	[tilespmem:s31+$0xFFFFFFF0] =	vst v60  }
0x42: {  	[tilespmem:s31+$0x0] =	vst v61  }
0x43: {  	[tilespmem:s31+$0x10] =	vst v62  }
0x44: {  	s16 =	sadd.s32 $0x80, s16;
	s17 =	sadd.s32 $0x400, s17;
	[tilespmem:s31+$0x20] =	vst v63  }
.Ltmp5:
0x45: {  	(pc) =	sbr.rel @p0 .LBB1_3-.Ltmp5, $2  }
0x46: {  	_ =	sdelay $0x2  }
0x47: {  	s16 =	simm.s32 $0x2000;
	p1 =	por $0x0, $0x0  }
.Ltmp6:
0x48: {  	(pc) =	sbr.rel .LBB1_9-.Ltmp6, $4  }
0x49: {  	_ = 	snop  }
0x4a: {  	s12 =	sshll.u32 s12, $0xA  }
0x4b: {  	s12 =	sadd.s32 s4, s12  }
0x4c: {  	[hbm4b:s12+s8] =	stream.linear.scatter [tilespmem:s13], [sflag:$0x2], $0x4000, $0x38;
	[tilespmem:$0x10000] =	vst v63  }
.LBB1_10:
0x4d: {  	_ =	sfence.sel $0x180000  }
0x4e: {  	s2 =	simm.s32 $0x1;
	[bflag:$0x0] =	sbarrier.arrive $0xFFFF  }
0x4f: {  	s31 =	simm.s32 $0x2;
	[sflag:s2] =	ssyncpa.u1 $0x1  }
0x50: {  	[sflag:s31] =	ssyncpa.u1 $0x1  }
0x51: {  	p0 =	sne.s32 s0, $0x0;
	_ =	strace $0x90000047  }
0x52: {  	s0 =	sadd.s32 @!p0 $0x100000, s1;
	[bflag:$0x2] =	sbarrier.arrive $0xFFFF  }
0x53: {  	[sflag:s0] =	ssyncadd.tile.s32 @!p0 $0x1;
	_ =	shalt  }
.Lfunc_end1:
_tile_overlayer_lowered:
.L_overlay_start_2:
0x54: {  	(tag) =	ssettag $0x2  }
0x55: {  	s0 =	rddreg [dreg:$0x0];
	s2 =	stileid.u32  }
0x56: {  	s1 =	rddreg [dreg:$0x1];
	p0 =	sne.s32 s2, $0x0  }
0x57: {  	s3 =	rddreg [dreg:$0x2];
	[bflag:$0x3] =	sbarrier.arrive $0xFFFF;
	s2 =	simm.s32 @!p0 $0x1C01  }
0x58: {  	[timem:s3], [sflag:s2] =	dma.local @!p0 [hbm:s0], s1  }
0x59: {  	s0 =	simm.s32 @!p0 $0x1  }
0x5a: {  	_ =	swait.ge @!p0 [sflag:s0], s1  }
0x5b: {  	s1 =	ssub.s32 @!p0 $0x0, s1;
	[sflag:s0] =	ssyncset.done @!p0 $0x0  }
0x5c: {  	[sflag:s0] =	ssyncadd.s32 @!p0 s1  }
0x5d: {  	[bflag:$0x3] =	sbarrier.arrive $0xFFFF  }
0x5e: {  	_ =	shalt  }

</sc_bundles>
